<compile_context>
chip_gen: v7x
topology: tpu7x:2x2x1
jax: 0.10.2.dev20260603
libtpu: 0.0.44.dev20260713+nightly
codegen_flags: <defaults>
</compile_context>

<pallas_src>
import functools

import jax
import jax.numpy as jnp
from jax import lax
from jax.experimental import pallas as pl
from jax.experimental.pallas import tpu as pltpu
from jax.experimental.pallas import tpu_sc as plsc

NUM_SC_CORES = 2
NUM_SUBCORES = 16
NUM_WORKERS = NUM_SC_CORES * NUM_SUBCORES


def _packproj_body(x_ref, w_ref, r_ref, e_ref, relx_ref, w1_ref, b_ref,
                   proj_ref, adj_ref, relp_ref):
    proj_ref[...] = jnp.dot(x_ref[...], w_ref[...],
                            preferred_element_type=jnp.float32)
    rows = r_ref.shape[0]
    pad = adj_ref.shape[1] - 2 * r_ref.shape[1]
    adj_ref[...] = jnp.concatenate(
        [r_ref[...], e_ref[...],
         jnp.zeros((rows, pad), jnp.int32)], axis=-1)

    @pl.when(pl.program_id(0) == 0)
    def _():
        relp_ref[...] = jnp.dot(relx_ref[...], w1_ref[...],
                                preferred_element_type=jnp.float32) + b_ref[...]


def _packproj(entity_embeddings, w2, neighbor_rel, neighbor_ent,
              rel_pad, w1, b2d, block_rows, width):
    n, d = entity_embeddings.shape
    e = w2.shape[1]
    m = neighbor_rel.shape[1]
    nr = rel_pad.shape[0]
    return pl.pallas_call(
        _packproj_body,
        grid=(n // block_rows,),
        in_specs=[
            pl.BlockSpec((block_rows, d), lambda i: (i, 0)),
            pl.BlockSpec((d, e), lambda i: (0, 0)),
            pl.BlockSpec((block_rows, m), lambda i: (i, 0)),
            pl.BlockSpec((block_rows, m), lambda i: (i, 0)),
            pl.BlockSpec((nr, d), lambda i: (0, 0)),
            pl.BlockSpec((d, e), lambda i: (0, 0)),
            pl.BlockSpec((1, e), lambda i: (0, 0)),
        ],
        out_specs=[
            pl.BlockSpec((block_rows, e), lambda i: (i, 0)),
            pl.BlockSpec((block_rows, width), lambda i: (i, 0)),
            pl.BlockSpec((nr, e), lambda i: (0, 0)),
        ],
        out_shape=[
            jax.ShapeDtypeStruct((n, e), jnp.float32),
            jax.ShapeDtypeStruct((n, width), jnp.int32),
            jax.ShapeDtypeStruct((nr, e), jnp.float32),
        ],
    )(entity_embeddings, w2, neighbor_rel, neighbor_ent, rel_pad, w1, b2d)


def _build_sc_merged(batch, max_n, e_dim, cq, ch):
    bq = batch // NUM_WORKERS
    rpt = bq * max_n
    n_conn_chunks = bq // cq
    n_chunks = rpt // ch
    chunks_per_m = bq // ch
    lanes = 16
    mesh = plsc.VectorSubcoreMesh(core_axis_name="c", subcore_axis_name="s",
                                  num_cores=NUM_SC_CORES,
                                  num_subcores=NUM_SUBCORES)

    @functools.partial(
        pl.kernel,
        mesh=mesh,
        out_type=[
            jax.ShapeDtypeStruct((batch * max_n, e_dim), jnp.float32),
            jax.ShapeDtypeStruct((batch, e_dim), jnp.float32),
        ],
        scratch_types=[
            pltpu.VMEM((bq,), jnp.int32),
            pltpu.VMEM((cq, 128), jnp.int32),
            pltpu.VMEM((cq, e_dim), jnp.float32),
            pltpu.VMEM((rpt,), jnp.int32),
            pltpu.VMEM((rpt,), jnp.int32),
            pltpu.VMEM((ch, e_dim), jnp.float32),
            pltpu.VMEM((ch, e_dim), jnp.float32),
            pltpu.VMEM((ch, e_dim), jnp.float32),
            pltpu.VMEM((ch, e_dim), jnp.float32),
            pltpu.SemaphoreType.DMA,
            pltpu.SemaphoreType.DMA,
            pltpu.SemaphoreType.DMA,
            pltpu.SemaphoreType.DMA,
        ],
        compiler_params=pltpu.CompilerParams(needs_layout_passes=False),
    )
    def merged_kernel(ids_hbm, adj_hbm, etab_hbm, eproj_hbm, rproj_hbm,
                      agg_out, self_out,
                      idq, cbuf, sbuf, fe, fr,
                      be0, be1, br0, br1, sem0, sem1, semc, sems):
        w = lax.axis_index("s") * NUM_SC_CORES + lax.axis_index("c")
        base = w * bq
        pltpu.sync_copy(ids_hbm.at[pl.ds(base, bq)], idq)

        def conn_step(c, carry):
            off = pl.multiple_of(c * cq, 8)
            cpc = pltpu.async_copy(adj_hbm.at[idq.at[pl.ds(off, cq)]],
                                   cbuf, semc)
            cps = pltpu.async_copy(etab_hbm.at[idq.at[pl.ds(off, cq)]],
                                   sbuf, sems)
            cpc.wait()

            def ext(i, carry2):
                rows = i * lanes + lax.iota(jnp.int32, lanes)
                for m in range(max_n):
                    dst = pl.ds(m * bq + off + i * lanes, lanes)
                    fr[dst] = plsc.load_gather(
                        cbuf, [rows, jnp.full((lanes,), m, jnp.int32)])
                    fe[dst] = plsc.load_gather(
                        cbuf, [rows, jnp.full((lanes,), max_n + m,
                                              jnp.int32)])
                return carry2

            lax.fori_loop(0, cq // lanes, ext, 0)
            cps.wait()
            pltpu.sync_copy(sbuf, self_out.at[pl.ds(base + off, cq)])
            return carry

        lax.fori_loop(0, n_conn_chunks, conn_step, 0)

        def issue(c, be, br, sem):
            off = pl.multiple_of(c * ch, 8)
            pltpu.async_copy(eproj_hbm.at[fe.at[pl.ds(off, ch)]], be, sem)
            pltpu.async_copy(rproj_hbm.at[fr.at[pl.ds(off, ch)]], br, sem)

        def drain(be, br, sem):
            pltpu.make_async_copy(eproj_hbm.at[fe.at[pl.ds(0, ch)]],
                                  be, sem).wait()
            pltpu.make_async_copy(rproj_hbm.at[fr.at[pl.ds(0, ch)]],
                                  br, sem).wait()

        def fuse_and_store(c, be, br):
            def fuse(r, carry2):
                for k in range(e_dim // lanes):
                    sl = pl.ds(k * lanes, lanes)
                    be[r, sl] = jnp.maximum(be[r, sl] + br[r, sl], 0.0)
                return carry2

            lax.fori_loop(0, ch, fuse, 0)
            m = c // chunks_per_m
            qoff = (c % chunks_per_m) * ch
            dst = m * batch + base + qoff
            pltpu.sync_copy(be, agg_out.at[pl.ds(dst, ch)])

        issue(0, be0, br0, sem0)

        def step(j, carry):
            c0 = j * 2
            issue(c0 + 1, be1, br1, sem1)
            drain(be0, br0, sem0)
            fuse_and_store(c0, be0, br0)

            @pl.when(c0 + 2 < n_chunks)
            def _():
                issue(c0 + 2, be0, br0, sem0)

            drain(be1, br1, sem1)
            fuse_and_store(c0 + 1, be1, br1)
            return carry

        lax.fori_loop(0, n_chunks // 2, step, 0)

    return merged_kernel


def _att_body(agg_ref, self_ref, wa_ref, ws_ref, bs_ref, o_ref):
    agg = agg_ref[...]
    att = jnp.sum(agg * wa_ref[...][None], axis=-1)
    att = att - jnp.max(att, axis=0, keepdims=True)
    ea = jnp.exp(att)
    alpha = ea / jnp.sum(ea, axis=0, keepdims=True)
    neigh = jnp.sum(agg * alpha[:, :, None], axis=0)
    h = jnp.concatenate([self_ref[...], neigh], axis=-1)
    o_ref[...] = jnp.maximum(
        jnp.dot(h, ws_ref[...], preferred_element_type=jnp.float32)
        + bs_ref[...], 0.0)


def _attention(agg3, self_emb, wa_row, w_self, bs2d, qb):
    m, b, e = agg3.shape
    return pl.pallas_call(
        _att_body,
        grid=(b // qb,),
        in_specs=[
            pl.BlockSpec((m, qb, e), lambda i: (0, i, 0)),
            pl.BlockSpec((qb, e), lambda i: (i, 0)),
            pl.BlockSpec((1, e), lambda i: (0, 0)),
            pl.BlockSpec((2 * e, e), lambda i: (0, 0)),
            pl.BlockSpec((1, e), lambda i: (0, 0)),
        ],
        out_specs=pl.BlockSpec((qb, e), lambda i: (i, 0)),
        out_shape=jax.ShapeDtypeStruct((b, e), jnp.float32),
    )(agg3, self_emb, wa_row, w_self, bs2d)


def kernel(entity_ids, neighbor_rel, neighbor_ent, entity_embeddings,
           relation_embeddings, W_agg, b_agg, W_att, b_att, W_self, b_self):
    batch = entity_ids.shape[0]
    n_ent, e_dim = entity_embeddings.shape
    n_rel, r_dim = relation_embeddings.shape
    max_n = neighbor_rel.shape[1]

    n_rel_pad = (n_rel + 7) // 8 * 8
    rel_pad = jnp.pad(relation_embeddings, ((0, n_rel_pad - n_rel), (0, 0)))
    ent_proj, adj_packed, rel_proj = _packproj(
        entity_embeddings, W_agg[r_dim:], neighbor_rel, neighbor_ent,
        rel_pad, W_agg[:r_dim], b_agg.reshape(1, e_dim),
        block_rows=2000, width=128)

    merged_fn = _build_sc_merged(batch, max_n, e_dim, cq=128, ch=128)
    agg, self_emb = merged_fn(entity_ids, adj_packed, entity_embeddings,
                              ent_proj, rel_proj)

    out = _attention(agg.reshape(max_n, batch, e_dim),
                     self_emb, W_att.reshape(1, e_dim).astype(jnp.float32),
                     W_self, b_self.reshape(1, e_dim), qb=1024)
    return out

# --- scband reference (transcript-rebuilt; emitter-appended) ---
"""Pipeline reference for scband-knowledge-graph-73237782331452 (READ-ONLY COPY).

The authoritative reference and input builder live on the scoring server;
editing this copy changes nothing except your own understanding.
"""

import jax, jax.numpy as jnp
import numpy as np

NUM_ENTITIES = 100000
NUM_RELATIONS = 500
MAX_NEIGH = 10
E_DIM = 128
R_DIM = 128
BATCH = 16384


def setup_inputs(seed: int = 0) -> dict:
    key = jax.random.key(seed)
    ks = jax.random.split(key, 12)
    entity_ids = jax.random.randint(ks[0], (BATCH,), 0, NUM_ENTITIES, dtype=jnp.int64 if jax.config.jax_enable_x64 else jnp.int32).astype(jnp.int32)
    neighbor_rel = jax.random.randint(ks[1], (NUM_ENTITIES, MAX_NEIGH), 0, NUM_RELATIONS).astype(jnp.int32)
    neighbor_ent = jax.random.randint(ks[2], (NUM_ENTITIES, MAX_NEIGH), 0, NUM_ENTITIES).astype(jnp.int32)
    entity_embeddings = jax.random.normal(ks[3], (NUM_ENTITIES, E_DIM), dtype=jnp.float32)
    relation_embeddings = jax.random.normal(ks[4], (NUM_RELATIONS, R_DIM), dtype=jnp.float32)
    W_agg = jax.random.normal(ks[5], (E_DIM + R_DIM, E_DIM), dtype=jnp.float32) * (1.0 / np.sqrt(E_DIM + R_DIM))
    b_agg = jnp.zeros((E_DIM,), dtype=jnp.float32)
    W_att = jax.random.normal(ks[6], (E_DIM, 1), dtype=jnp.float32) * (1.0 / np.sqrt(E_DIM))
    b_att = jnp.zeros((1,), dtype=jnp.float32)
    W_self = jax.random.normal(ks[7], (E_DIM * 2, E_DIM), dtype=jnp.float32) * (1.0 / np.sqrt(E_DIM * 2))
    b_self = jnp.zeros((E_DIM,), dtype=jnp.float32)
    return {
        'entity_ids': entity_ids,
        'neighbor_rel': neighbor_rel,
        'neighbor_ent': neighbor_ent,
        'entity_embeddings': entity_embeddings,
        'relation_embeddings': relation_embeddings,
        'W_agg': W_agg, 'b_agg': b_agg,
        'W_att': W_att, 'b_att': b_att,
        'W_self': W_self, 'b_self': b_self,
    }


def reference(entity_ids, neighbor_rel, neighbor_ent, entity_embeddings, relation_embeddings,
              W_agg, b_agg, W_att, b_att, W_self, b_self):
    # Gather fixed-fan-in adjacency rows for the query batch (graph[ent, idx, 0]=rel, [...,1]=ent)
    conn_r = jnp.take(neighbor_rel, entity_ids, axis=0)              # [B, max_]
    conn_e = jnp.take(neighbor_ent, entity_ids, axis=0)              # [B, max_]
    rel_emb = jnp.take(relation_embeddings, conn_r, axis=0)          # [B, max_, r_dim]
    ent_emb = jnp.take(entity_embeddings, conn_e, axis=0)            # [B, max_, e_dim]
    concat = jnp.concatenate([rel_emb, ent_emb], axis=-1)            # [B, max_, r+e]
    # entity_neigh_agg: Linear(entity_dim + relation_dim -> entity_dim) + relu
    agg = jax.nn.relu(jnp.einsum('bmd,de->bme', concat, W_agg) + b_agg)   # [B, max_, e_dim]
    # neigh_att_u: Linear(entity_dim -> 1), softmax over neighbor axis (dim=1)
    att = jnp.einsum('bme,eo->bmo', agg, W_att) + b_att              # [B, max_, 1]
    alpha = jax.nn.softmax(att, axis=1)                              # softmax_m(dim=1)
    neigh = jnp.sum(alpha * agg, axis=1)                             # [B, e_dim]
    # entity_neigh_self: Linear(2*entity_dim -> entity_dim) on [self_emb ; neigh]
    self_emb = jnp.take(entity_embeddings, entity_ids, axis=0)       # [B, e_dim]
    out = jax.nn.relu(jnp.concatenate([self_emb, neigh], axis=-1) @ W_self + b_self)
    return out


if False:  # reference __main__ guard neutralized (emitter)
    inp = setup_inputs()
    out = reference(**inp)
    print(out.shape, out.dtype)

if __name__ == "__main__":
    import jax
    _d = setup_inputs()
    print(jax.jit(kernel)(*tuple(_d.values())))

</pallas_src>

<mosaic_0001>
#map = affine_map<(d0, d1) -> (0)>
#map1 = affine_map<(d0, d1) -> (0, 0)>
module attributes {stable_mosaic.version = 14 : i64} {
  func.func @merged_kernel(%arg0: i32, %arg1: i32, %arg2: memref<16384xi32, #tpu.memory_space<hbm>>, %arg3: memref<100000x128xi32, #tpu.memory_space<hbm>>, %arg4: memref<100000x128xf32, #tpu.memory_space<hbm>>, %arg5: memref<100000x128xf32, #tpu.memory_space<hbm>>, %arg6: memref<504x128xf32, #tpu.memory_space<hbm>>, %arg7: memref<163840x128xf32, #tpu.memory_space<hbm>>, %arg8: memref<16384x128xf32, #tpu.memory_space<hbm>>, %arg9: memref<512xi32, #tpu.memory_space<vmem>>, %arg10: memref<128x128xi32, #tpu.memory_space<vmem>>, %arg11: memref<128x128xf32, #tpu.memory_space<vmem>>, %arg12: memref<5120xi32, #tpu.memory_space<vmem>>, %arg13: memref<5120xi32, #tpu.memory_space<vmem>>, %arg14: memref<128x128xf32, #tpu.memory_space<vmem>>, %arg15: memref<128x128xf32, #tpu.memory_space<vmem>>, %arg16: memref<128x128xf32, #tpu.memory_space<vmem>>, %arg17: memref<128x128xf32, #tpu.memory_space<vmem>>, %arg18: memref<!tpu.dma_semaphore, #tpu.memory_space<semaphore_mem>>, %arg19: memref<!tpu.dma_semaphore, #tpu.memory_space<semaphore_mem>>, %arg20: memref<!tpu.dma_semaphore, #tpu.memory_space<semaphore_mem>>, %arg21: memref<!tpu.dma_semaphore, #tpu.memory_space<semaphore_mem>>) attributes {dimension_semantics = [#tpu.dimension_semantics<core_parallel>, #tpu.dimension_semantics<subcore_parallel>], iteration_bounds = array<i64: 2, 16>, scalar_prefetch = 0 : i64, scratch_operands = 13 : i64, tpu.core_type = #tpu.core_type<sc_vector_subcore>, window_params = [{transform_indices = #map}, {transform_indices = #map1}, {transform_indices = #map1}, {transform_indices = #map1}, {transform_indices = #map1}, {transform_indices = #map1}, {transform_indices = #map1}]} {
    %mul3A = arith.constant 2 : i32
    %mul3A_0 = arith.muli %arg1, %mul3A : i32
    %add3A = arith.addi %mul3A_0, %arg0 : i32
    %mul3A_1 = arith.constant 512 : i32
    %mul3A_2 = arith.muli %add3A, %mul3A_1 : i32
    "tpu.region"() ({
      %run_scoped3A = tpu.sem_alloc : memref<!tpu.dma_semaphore, #tpu.memory_space<semaphore_mem>>
      %dma_start3A_22 = tpu.memref_slice %arg2[%mul3A_2] : memref<16384xi32, #tpu.memory_space<hbm>> -> memref<512xi32, #tpu.memory_space<hbm>>
      %dma_start3A_23 = tpu.memref_slice %arg2[%mul3A_2] : memref<16384xi32, #tpu.memory_space<hbm>> -> memref<512xi32, #tpu.memory_space<hbm>>
      tpu.enqueue_dma source(%dma_start3A_23 : memref<512xi32, #tpu.memory_space<hbm>>) target(%arg9 : memref<512xi32, #tpu.memory_space<vmem>>) target_semaphore(%run_scoped3A : memref<!tpu.dma_semaphore, #tpu.memory_space<semaphore_mem>>)
      %dma_wait3A = tpu.memref_slice %arg2[%mul3A_2] : memref<16384xi32, #tpu.memory_space<hbm>> -> memref<512xi32, #tpu.memory_space<hbm>>
      %dma_wait3A_24 = tpu.memref_slice %arg2[%mul3A_2] : memref<16384xi32, #tpu.memory_space<hbm>> -> memref<512xi32, #tpu.memory_space<hbm>>
      tpu.wait_dma2 semaphore(%run_scoped3A : memref<!tpu.dma_semaphore, #tpu.memory_space<semaphore_mem>>) src(%dma_wait3A_24 : memref<512xi32, #tpu.memory_space<hbm>>) dst(%arg9 : memref<512xi32, #tpu.memory_space<vmem>>)
      tpu.yield
    }) : () -> ()
    %scan3A = arith.constant 0 : i32
    %scan3A_3 = arith.constant 0 : i32
    %scan3A_4 = arith.constant 4 : i32
    %scan3A_5 = arith.addi %scan3A_3, %scan3A_4 : i32
    %scan3A_6 = arith.constant 1 : i32
    scf.for %scan3A_22 = %scan3A_3 to %scan3A_5 step %scan3A_6  : i32 {
      %mul3A_23 = arith.constant 128 : i32
      %mul3A_24 = arith.muli %scan3A_22, %mul3A_23 : i32
      %multiple_of3A_25 = tpu.assume_multiple %mul3A_24, 8 : i32
      %dma_start3A_26 = tpu.memref_slice %arg9[%multiple_of3A_25] : memref<512xi32, #tpu.memory_space<vmem>> -> memref<128xi32, #tpu.memory_space<vmem>>
      %dma_start3A_27 = arith.constant 0 : i32
      %dma_start3A_28 = arith.constant 0 : i32
      %dma_start3A_29 = tpu.memref_slice %arg3[%dma_start3A_27, %dma_start3A_28] : memref<100000x128xi32, #tpu.memory_space<hbm>> -> memref<100000x128xi32, #tpu.memory_space<hbm>>
      tpu.enqueue_indirect_dma source(%dma_start3A_29 : memref<100000x128xi32, #tpu.memory_space<hbm>>) target(%arg10 : memref<128x128xi32, #tpu.memory_space<vmem>>) offsets(%dma_start3A_26 : memref<128xi32, #tpu.memory_space<vmem>>) semaphore(%arg20 : memref<!tpu.dma_semaphore, #tpu.memory_space<semaphore_mem>>)
      %dma_start3A_30 = tpu.memref_slice %arg9[%multiple_of3A_25] : memref<512xi32, #tpu.memory_space<vmem>> -> memref<128xi32, #tpu.memory_space<vmem>>
      %dma_start3A_31 = arith.constant 0 : i32
      %dma_start3A_32 = arith.constant 0 : i32
      %dma_start3A_33 = tpu.memref_slice %arg4[%dma_start3A_31, %dma_start3A_32] : memref<100000x128xf32, #tpu.memory_space<hbm>> -> memref<100000x128xf32, #tpu.memory_space<hbm>>
      tpu.enqueue_indirect_dma source(%dma_start3A_33 : memref<100000x128xf32, #tpu.memory_space<hbm>>) target(%arg11 : memref<128x128xf32, #tpu.memory_space<vmem>>) offsets(%dma_start3A_30 : memref<128xi32, #tpu.memory_space<vmem>>) semaphore(%arg21 : memref<!tpu.dma_semaphore, #tpu.memory_space<semaphore_mem>>)
      %dma_wait3A = tpu.memref_slice %arg9[%multiple_of3A_25] : memref<512xi32, #tpu.memory_space<vmem>> -> memref<128xi32, #tpu.memory_space<vmem>>
      %dma_wait3A_34 = arith.constant 0 : i32
      %dma_wait3A_35 = arith.constant 0 : i32
      %dma_wait3A_36 = tpu.memref_slice %arg3[%dma_wait3A_34, %dma_wait3A_35] : memref<100000x128xi32, #tpu.memory_space<hbm>> -> memref<100000x128xi32, #tpu.memory_space<hbm>>
      tpu.wait_indirect_dma semaphore(%arg20 : memref<!tpu.dma_semaphore, #tpu.memory_space<semaphore_mem>>) src(%dma_wait3A_36 : memref<100000x128xi32, #tpu.memory_space<hbm>>) dst(%arg10 : memref<128x128xi32, #tpu.memory_space<vmem>>)
      %scan3A_37 = arith.constant 0 : i32
      %scan3A_38 = arith.constant 0 : i32
      %scan3A_39 = arith.constant 8 : i32
      %scan3A_40 = arith.addi %scan3A_38, %scan3A_39 : i32
      %scan3A_41 = arith.constant 1 : i32
      scf.for %scan3A_48 = %scan3A_38 to %scan3A_40 step %scan3A_41  : i32 {
        %mul3A_49 = arith.constant 16 : i32
        %mul3A_50 = arith.muli %scan3A_48, %mul3A_49 : i32
        %iota3A = tpu.iota {dimensions = array<i32: 0>} : vector<16xi32>
        %add3A_51 = vector.broadcast %mul3A_50 : i32 to vector<16xi32>
        %add3A_52 = arith.addi %add3A_51, %iota3A : vector<16xi32>
        %add3A_53 = arith.constant 0 : i32
        %add3A_54 = arith.addi %add3A_53, %multiple_of3A_25 : i32
        %mul3A_55 = arith.constant 16 : i32
        %mul3A_56 = arith.muli %scan3A_48, %mul3A_55 : i32
        %add3A_57 = arith.addi %add3A_54, %mul3A_56 : i32
        %broadcast_in_dim3A = arith.constant 0 : i32
        %broadcast_in_dim3A_58 = vector.broadcast %broadcast_in_dim3A : i32 to vector<16xi32>
        %gather3A = tpu.vector_load_idx %arg10[%add3A_52, %broadcast_in_dim3A_58] : memref<128x128xi32, #tpu.memory_space<vmem>>[vector<16xi32>, vector<16xi32>], vector<16xi32>,
        %swap3A = arith.index_cast %add3A_57 : i32 to index
        %swap3A_59 = tpu.vector_load %arg13[%swap3A] {strides = array<i32>} : memref<5120xi32, #tpu.memory_space<vmem>>, vector<16xi32>,
        tpu.vector_store %arg13[%swap3A], %gather3A {strides = array<i32>} : memref<5120xi32, #tpu.memory_space<vmem>>, vector<16xi32>,
        %broadcast_in_dim3A_60 = arith.constant 10 : i32
        %broadcast_in_dim3A_61 = vector.broadcast %broadcast_in_dim3A_60 : i32 to vector<16xi32>
        %gather3A_62 = tpu.vector_load_idx %arg10[%add3A_52, %broadcast_in_dim3A_61] : memref<128x128xi32, #tpu.memory_space<vmem>>[vector<16xi32>, vector<16xi32>], vector<16xi32>,
        %swap3A_63 = arith.index_cast %add3A_57 : i32 to index
        %swap3A_64 = tpu.vector_load %arg12[%swap3A_63] {strides = array<i32>} : memref<5120xi32, #tpu.memory_space<vmem>>, vector<16xi32>,
        tpu.vector_store %arg12[%swap3A_63], %gather3A_62 {strides = array<i32>} : memref<5120xi32, #tpu.memory_space<vmem>>, vector<16xi32>,
        %add3A_65 = arith.constant 512 : i32
        %add3A_66 = arith.addi %add3A_65, %multiple_of3A_25 : i32
        %mul3A_67 = arith.constant 16 : i32
        %mul3A_68 = arith.muli %scan3A_48, %mul3A_67 : i32
        %add3A_69 = arith.addi %add3A_66, %mul3A_68 : i32
        %broadcast_in_dim3A_70 = arith.constant 1 : i32
        %broadcast_in_dim3A_71 = vector.broadcast %broadcast_in_dim3A_70 : i32 to vector<16xi32>
        %gather3A_72 = tpu.vector_load_idx %arg10[%add3A_52, %broadcast_in_dim3A_71] : memref<128x128xi32, #tpu.memory_space<vmem>>[vector<16xi32>, vector<16xi32>], vector<16xi32>,
        %swap3A_73 = arith.index_cast %add3A_69 : i32 to index
        %swap3A_74 = tpu.vector_load %arg13[%swap3A_73] {strides = array<i32>} : memref<5120xi32, #tpu.memory_space<vmem>>, vector<16xi32>,
        tpu.vector_store %arg13[%swap3A_73], %gather3A_72 {strides = array<i32>} : memref<5120xi32, #tpu.memory_space<vmem>>, vector<16xi32>,
        %broadcast_in_dim3A_75 = arith.constant 11 : i32
        %broadcast_in_dim3A_76 = vector.broadcast %broadcast_in_dim3A_75 : i32 to vector<16xi32>
        %gather3A_77 = tpu.vector_load_idx %arg10[%add3A_52, %broadcast_in_dim3A_76] : memref<128x128xi32, #tpu.memory_space<vmem>>[vector<16xi32>, vector<16xi32>], vector<16xi32>,
        %swap3A_78 = arith.index_cast %add3A_69 : i32 to index
        %swap3A_79 = tpu.vector_load %arg12[%swap3A_78] {strides = array<i32>} : memref<5120xi32, #tpu.memory_space<vmem>>, vector<16xi32>,
        tpu.vector_store %arg12[%swap3A_78], %gather3A_77 {strides = array<i32>} : memref<5120xi32, #tpu.memory_space<vmem>>, vector<16xi32>,
        %add3A_80 = arith.constant 1024 : i32
        %add3A_81 = arith.addi %add3A_80, %multiple_of3A_25 : i32
        %mul3A_82 = arith.constant 16 : i32
        %mul3A_83 = arith.muli %scan3A_48, %mul3A_82 : i32
        %add3A_84 = arith.addi %add3A_81, %mul3A_83 : i32
        %broadcast_in_dim3A_85 = arith.constant 2 : i32
        %broadcast_in_dim3A_86 = vector.broadcast %broadcast_in_dim3A_85 : i32 to vector<16xi32>
        %gather3A_87 = tpu.vector_load_idx %arg10[%add3A_52, %broadcast_in_dim3A_86] : memref<128x128xi32, #tpu.memory_space<vmem>>[vector<16xi32>, vector<16xi32>], vector<16xi32>,
        %swap3A_88 = arith.index_cast %add3A_84 : i32 to index
        %swap3A_89 = tpu.vector_load %arg13[%swap3A_88] {strides = array<i32>} : memref<5120xi32, #tpu.memory_space<vmem>>, vector<16xi32>,
        tpu.vector_store %arg13[%swap3A_88], %gather3A_87 {strides = array<i32>} : memref<5120xi32, #tpu.memory_space<vmem>>, vector<16xi32>,
        %broadcast_in_dim3A_90 = arith.constant 12 : i32
        %broadcast_in_dim3A_91 = vector.broadcast %broadcast_in_dim3A_90 : i32 to vector<16xi32>
        %gather3A_92 = tpu.vector_load_idx %arg10[%add3A_52, %broadcast_in_dim3A_91] : memref<128x128xi32, #tpu.memory_space<vmem>>[vector<16xi32>, vector<16xi32>], vector<16xi32>,
        %swap3A_93 = arith.index_cast %add3A_84 : i32 to index
        %swap3A_94 = tpu.vector_load %arg12[%swap3A_93] {strides = array<i32>} : memref<5120xi32, #tpu.memory_space<vmem>>, vector<16xi32>,
        tpu.vector_store %arg12[%swap3A_93], %gather3A_92 {strides = array<i32>} : memref<5120xi32, #tpu.memory_space<vmem>>, vector<16xi32>,
        %add3A_95 = arith.constant 1536 : i32
        %add3A_96 = arith.addi %add3A_95, %multiple_of3A_25 : i32
        %mul3A_97 = arith.constant 16 : i32
        %mul3A_98 = arith.muli %scan3A_48, %mul3A_97 : i32
        %add3A_99 = arith.addi %add3A_96, %mul3A_98 : i32
        %broadcast_in_dim3A_100 = arith.constant 3 : i32
        %broadcast_in_dim3A_101 = vector.broadcast %broadcast_in_dim3A_100 : i32 to vector<16xi32>
        %gather3A_102 = tpu.vector_load_idx %arg10[%add3A_52, %broadcast_in_dim3A_101] : memref<128x128xi32, #tpu.memory_space<vmem>>[vector<16xi32>, vector<16xi32>], vector<16xi32>,
        %swap3A_103 = arith.index_cast %add3A_99 : i32 to index
        %swap3A_104 = tpu.vector_load %arg13[%swap3A_103] {strides = array<i32>} : memref<5120xi32, #tpu.memory_space<vmem>>, vector<16xi32>,
        tpu.vector_store %arg13[%swap3A_103], %gather3A_102 {strides = array<i32>} : memref<5120xi32, #tpu.memory_space<vmem>>, vector<16xi32>,
        %broadcast_in_dim3A_105 = arith.constant 13 : i32
        %broadcast_in_dim3A_106 = vector.broadcast %broadcast_in_dim3A_105 : i32 to vector<16xi32>
        %gather3A_107 = tpu.vector_load_idx %arg10[%add3A_52, %broadcast_in_dim3A_106] : memref<128x128xi32, #tpu.memory_space<vmem>>[vector<16xi32>, vector<16xi32>], vector<16xi32>,
        %swap3A_108 = arith.index_cast %add3A_99 : i32 to index
        %swap3A_109 = tpu.vector_load %arg12[%swap3A_108] {strides = array<i32>} : memref<5120xi32, #tpu.memory_space<vmem>>, vector<16xi32>,
        tpu.vector_store %arg12[%swap3A_108], %gather3A_107 {strides = array<i32>} : memref<5120xi32, #tpu.memory_space<vmem>>, vector<16xi32>,
        %add3A_110 = arith.constant 2048 : i32
        %add3A_111 = arith.addi %add3A_110, %multiple_of3A_25 : i32
        %mul3A_112 = arith.constant 16 : i32
        %mul3A_113 = arith.muli %scan3A_48, %mul3A_112 : i32
        %add3A_114 = arith.addi %add3A_111, %mul3A_113 : i32
        %broadcast_in_dim3A_115 = arith.constant 4 : i32
        %broadcast_in_dim3A_116 = vector.broadcast %broadcast_in_dim3A_115 : i32 to vector<16xi32>
        %gather3A_117 = tpu.vector_load_idx %arg10[%add3A_52, %broadcast_in_dim3A_116] : memref<128x128xi32, #tpu.memory_space<vmem>>[vector<16xi32>, vector<16xi32>], vector<16xi32>,
        %swap3A_118 = arith.index_cast %add3A_114 : i32 to index
        %swap3A_119 = tpu.vector_load %arg13[%swap3A_118] {strides = array<i32>} : memref<5120xi32, #tpu.memory_space<vmem>>, vector<16xi32>,
        tpu.vector_store %arg13[%swap3A_118], %gather3A_117 {strides = array<i32>} : memref<5120xi32, #tpu.memory_space<vmem>>, vector<16xi32>,
        %broadcast_in_dim3A_120 = arith.constant 14 : i32
        %broadcast_in_dim3A_121 = vector.broadcast %broadcast_in_dim3A_120 : i32 to vector<16xi32>
        %gather3A_122 = tpu.vector_load_idx %arg10[%add3A_52, %broadcast_in_dim3A_121] : memref<128x128xi32, #tpu.memory_space<vmem>>[vector<16xi32>, vector<16xi32>], vector<16xi32>,
        %swap3A_123 = arith.index_cast %add3A_114 : i32 to index
        %swap3A_124 = tpu.vector_load %arg12[%swap3A_123] {strides = array<i32>} : memref<5120xi32, #tpu.memory_space<vmem>>, vector<16xi32>,
        tpu.vector_store %arg12[%swap3A_123], %gather3A_122 {strides = array<i32>} : memref<5120xi32, #tpu.memory_space<vmem>>, vector<16xi32>,
        %add3A_125 = arith.constant 2560 : i32
        %add3A_126 = arith.addi %add3A_125, %multiple_of3A_25 : i32
        %mul3A_127 = arith.constant 16 : i32
        %mul3A_128 = arith.muli %scan3A_48, %mul3A_127 : i32
        %add3A_129 = arith.addi %add3A_126, %mul3A_128 : i32
        %broadcast_in_dim3A_130 = arith.constant 5 : i32
        %broadcast_in_dim3A_131 = vector.broadcast %broadcast_in_dim3A_130 : i32 to vector<16xi32>
        %gather3A_132 = tpu.vector_load_idx %arg10[%add3A_52, %broadcast_in_dim3A_131] : memref<128x128xi32, #tpu.memory_space<vmem>>[vector<16xi32>, vector<16xi32>], vector<16xi32>,
        %swap3A_133 = arith.index_cast %add3A_129 : i32 to index
        %swap3A_134 = tpu.vector_load %arg13[%swap3A_133] {strides = array<i32>} : memref<5120xi32, #tpu.memory_space<vmem>>, vector<16xi32>,
        tpu.vector_store %arg13[%swap3A_133], %gather3A_132 {strides = array<i32>} : memref<5120xi32, #tpu.memory_space<vmem>>, vector<16xi32>,
        %broadcast_in_dim3A_135 = arith.constant 15 : i32
        %broadcast_in_dim3A_136 = vector.broadcast %broadcast_in_dim3A_135 : i32 to vector<16xi32>
        %gather3A_137 = tpu.vector_load_idx %arg10[%add3A_52, %broadcast_in_dim3A_136] : memref<128x128xi32, #tpu.memory_space<vmem>>[vector<16xi32>, vector<16xi32>], vector<16xi32>,
        %swap3A_138 = arith.index_cast %add3A_129 : i32 to index
        %swap3A_139 = tpu.vector_load %arg12[%swap3A_138] {strides = array<i32>} : memref<5120xi32, #tpu.memory_space<vmem>>, vector<16xi32>,
        tpu.vector_store %arg12[%swap3A_138], %gather3A_137 {strides = array<i32>} : memref<5120xi32, #tpu.memory_space<vmem>>, vector<16xi32>,
        %add3A_140 = arith.constant 3072 : i32
        %add3A_141 = arith.addi %add3A_140, %multiple_of3A_25 : i32
        %mul3A_142 = arith.constant 16 : i32
        %mul3A_143 = arith.muli %scan3A_48, %mul3A_142 : i32
        %add3A_144 = arith.addi %add3A_141, %mul3A_143 : i32
        %broadcast_in_dim3A_145 = arith.constant 6 : i32
        %broadcast_in_dim3A_146 = vector.broadcast %broadcast_in_dim3A_145 : i32 to vector<16xi32>
        %gather3A_147 = tpu.vector_load_idx %arg10[%add3A_52, %broadcast_in_dim3A_146] : memref<128x128xi32, #tpu.memory_space<vmem>>[vector<16xi32>, vector<16xi32>], vector<16xi32>,
        %swap3A_148 = arith.index_cast %add3A_144 : i32 to index
        %swap3A_149 = tpu.vector_load %arg13[%swap3A_148] {strides = array<i32>} : memref<5120xi32, #tpu.memory_space<vmem>>, vector<16xi32>,
        tpu.vector_store %arg13[%swap3A_148], %gather3A_147 {strides = array<i32>} : memref<5120xi32, #tpu.memory_space<vmem>>, vector<16xi32>,
        %broadcast_in_dim3A_150 = arith.constant 16 : i32
        %broadcast_in_dim3A_151 = vector.broadcast %broadcast_in_dim3A_150 : i32 to vector<16xi32>
        %gather3A_152 = tpu.vector_load_idx %arg10[%add3A_52, %broadcast_in_dim3A_151] : memref<128x128xi32, #tpu.memory_space<vmem>>[vector<16xi32>, vector<16xi32>], vector<16xi32>,
        %swap3A_153 = arith.index_cast %add3A_144 : i32 to index
        %swap3A_154 = tpu.vector_load %arg12[%swap3A_153] {strides = array<i32>} : memref<5120xi32, #tpu.memory_space<vmem>>, vector<16xi32>,
        tpu.vector_store %arg12[%swap3A_153], %gather3A_152 {strides = array<i32>} : memref<5120xi32, #tpu.memory_space<vmem>>, vector<16xi32>,
        %add3A_155 = arith.constant 3584 : i32
        %add3A_156 = arith.addi %add3A_155, %multiple_of3A_25 : i32
        %mul3A_157 = arith.constant 16 : i32
        %mul3A_158 = arith.muli %scan3A_48, %mul3A_157 : i32
        %add3A_159 = arith.addi %add3A_156, %mul3A_158 : i32
        %broadcast_in_dim3A_160 = arith.constant 7 : i32
        %broadcast_in_dim3A_161 = vector.broadcast %broadcast_in_dim3A_160 : i32 to vector<16xi32>
        %gather3A_162 = tpu.vector_load_idx %arg10[%add3A_52, %broadcast_in_dim3A_161] : memref<128x128xi32, #tpu.memory_space<vmem>>[vector<16xi32>, vector<16xi32>], vector<16xi32>,
        %swap3A_163 = arith.index_cast %add3A_159 : i32 to index
        %swap3A_164 = tpu.vector_load %arg13[%swap3A_163] {strides = array<i32>} : memref<5120xi32, #tpu.memory_space<vmem>>, vector<16xi32>,
        tpu.vector_store %arg13[%swap3A_163], %gather3A_162 {strides = array<i32>} : memref<5120xi32, #tpu.memory_space<vmem>>, vector<16xi32>,
        %broadcast_in_dim3A_165 = arith.constant 17 : i32
        %broadcast_in_dim3A_166 = vector.broadcast %broadcast_in_dim3A_165 : i32 to vector<16xi32>
        %gather3A_167 = tpu.vector_load_idx %arg10[%add3A_52, %broadcast_in_dim3A_166] : memref<128x128xi32, #tpu.memory_space<vmem>>[vector<16xi32>, vector<16xi32>], vector<16xi32>,
        %swap3A_168 = arith.index_cast %add3A_159 : i32 to index
        %swap3A_169 = tpu.vector_load %arg12[%swap3A_168] {strides = array<i32>} : memref<5120xi32, #tpu.memory_space<vmem>>, vector<16xi32>,
        tpu.vector_store %arg12[%swap3A_168], %gather3A_167 {strides = array<i32>} : memref<5120xi32, #tpu.memory_space<vmem>>, vector<16xi32>,
        %add3A_170 = arith.constant 4096 : i32
        %add3A_171 = arith.addi %add3A_170, %multiple_of3A_25 : i32
        %mul3A_172 = arith.constant 16 : i32
        %mul3A_173 = arith.muli %scan3A_48, %mul3A_172 : i32
        %add3A_174 = arith.addi %add3A_171, %mul3A_173 : i32
        %broadcast_in_dim3A_175 = arith.constant 8 : i32
        %broadcast_in_dim3A_176 = vector.broadcast %broadcast_in_dim3A_175 : i32 to vector<16xi32>
        %gather3A_177 = tpu.vector_load_idx %arg10[%add3A_52, %broadcast_in_dim3A_176] : memref<128x128xi32, #tpu.memory_space<vmem>>[vector<16xi32>, vector<16xi32>], vector<16xi32>,
        %swap3A_178 = arith.index_cast %add3A_174 : i32 to index
        %swap3A_179 = tpu.vector_load %arg13[%swap3A_178] {strides = array<i32>} : memref<5120xi32, #tpu.memory_space<vmem>>, vector<16xi32>,
        tpu.vector_store %arg13[%swap3A_178], %gather3A_177 {strides = array<i32>} : memref<5120xi32, #tpu.memory_space<vmem>>, vector<16xi32>,
        %broadcast_in_dim3A_180 = arith.constant 18 : i32
        %broadcast_in_dim3A_181 = vector.broadcast %broadcast_in_dim3A_180 : i32 to vector<16xi32>
        %gather3A_182 = tpu.vector_load_idx %arg10[%add3A_52, %broadcast_in_dim3A_181] : memref<128x128xi32, #tpu.memory_space<vmem>>[vector<16xi32>, vector<16xi32>], vector<16xi32>,
        %swap3A_183 = arith.index_cast %add3A_174 : i32 to index
        %swap3A_184 = tpu.vector_load %arg12[%swap3A_183] {strides = array<i32>} : memref<5120xi32, #tpu.memory_space<vmem>>, vector<16xi32>,
        tpu.vector_store %arg12[%swap3A_183], %gather3A_182 {strides = array<i32>} : memref<5120xi32, #tpu.memory_space<vmem>>, vector<16xi32>,
        %add3A_185 = arith.constant 4608 : i32
        %add3A_186 = arith.addi %add3A_185, %multiple_of3A_25 : i32
        %mul3A_187 = arith.constant 16 : i32
        %mul3A_188 = arith.muli %scan3A_48, %mul3A_187 : i32
        %add3A_189 = arith.addi %add3A_186, %mul3A_188 : i32
        %broadcast_in_dim3A_190 = arith.constant 9 : i32
        %broadcast_in_dim3A_191 = vector.broadcast %broadcast_in_dim3A_190 : i32 to vector<16xi32>
        %gather3A_192 = tpu.vector_load_idx %arg10[%add3A_52, %broadcast_in_dim3A_191] : memref<128x128xi32, #tpu.memory_space<vmem>>[vector<16xi32>, vector<16xi32>], vector<16xi32>,
        %swap3A_193 = arith.index_cast %add3A_189 : i32 to index
        %swap3A_194 = tpu.vector_load %arg13[%swap3A_193] {strides = array<i32>} : memref<5120xi32, #tpu.memory_space<vmem>>, vector<16xi32>,
        tpu.vector_store %arg13[%swap3A_193], %gather3A_192 {strides = array<i32>} : memref<5120xi32, #tpu.memory_space<vmem>>, vector<16xi32>,
        %broadcast_in_dim3A_195 = arith.constant 19 : i32
        %broadcast_in_dim3A_196 = vector.broadcast %broadcast_in_dim3A_195 : i32 to vector<16xi32>
        %gather3A_197 = tpu.vector_load_idx %arg10[%add3A_52, %broadcast_in_dim3A_196] : memref<128x128xi32, #tpu.memory_space<vmem>>[vector<16xi32>, vector<16xi32>], vector<16xi32>,
        %swap3A_198 = arith.index_cast %add3A_189 : i32 to index
        %swap3A_199 = tpu.vector_load %arg12[%swap3A_198] {strides = array<i32>} : memref<5120xi32, #tpu.memory_space<vmem>>, vector<16xi32>,
        tpu.vector_store %arg12[%swap3A_198], %gather3A_197 {strides = array<i32>} : memref<5120xi32, #tpu.memory_space<vmem>>, vector<16xi32>,
      }
      %scan3A_42 = arith.constant 8 : i32
      %dma_wait3A_43 = tpu.memref_slice %arg9[%multiple_of3A_25] : memref<512xi32, #tpu.memory_space<vmem>> -> memref<128xi32, #tpu.memory_space<vmem>>
      %dma_wait3A_44 = arith.constant 0 : i32
      %dma_wait3A_45 = arith.constant 0 : i32
      %dma_wait3A_46 = tpu.memref_slice %arg4[%dma_wait3A_44, %dma_wait3A_45] : memref<100000x128xf32, #tpu.memory_space<hbm>> -> memref<100000x128xf32, #tpu.memory_space<hbm>>
      tpu.wait_indirect_dma semaphore(%arg21 : memref<!tpu.dma_semaphore, #tpu.memory_space<semaphore_mem>>) src(%dma_wait3A_46 : memref<100000x128xf32, #tpu.memory_space<hbm>>) dst(%arg11 : memref<128x128xf32, #tpu.memory_space<vmem>>)
      %add3A_47 = arith.addi %mul3A_2, %multiple_of3A_25 : i32
      "tpu.region"() ({
        %run_scoped3A = tpu.sem_alloc : memref<!tpu.dma_semaphore, #tpu.memory_space<semaphore_mem>>
        %dma_start3A_48 = arith.constant 0 : i32
        %dma_start3A_49 = tpu.memref_slice %arg8[%add3A_47, %dma_start3A_48] : memref<16384x128xf32, #tpu.memory_space<hbm>> -> memref<128x128xf32, #tpu.memory_space<hbm>>
        %dma_start3A_50 = arith.constant 0 : i32
        %dma_start3A_51 = tpu.memref_slice %arg8[%add3A_47, %dma_start3A_50] : memref<16384x128xf32, #tpu.memory_space<hbm>> -> memref<128x128xf32, #tpu.memory_space<hbm>>
        tpu.enqueue_dma source(%arg11 : memref<128x128xf32, #tpu.memory_space<vmem>>) target(%dma_start3A_51 : memref<128x128xf32, #tpu.memory_space<hbm>>) target_semaphore(%run_scoped3A : memref<!tpu.dma_semaphore, #tpu.memory_space<semaphore_mem>>)
        %dma_wait3A_52 = arith.constant 0 : i32
        %dma_wait3A_53 = tpu.memref_slice %arg8[%add3A_47, %dma_wait3A_52] : memref<16384x128xf32, #tpu.memory_space<hbm>> -> memref<128x128xf32, #tpu.memory_space<hbm>>
        %dma_wait3A_54 = arith.constant 0 : i32
        %dma_wait3A_55 = tpu.memref_slice %arg8[%add3A_47, %dma_wait3A_54] : memref<16384x128xf32, #tpu.memory_space<hbm>> -> memref<128x128xf32, #tpu.memory_space<hbm>>
        tpu.wait_dma2 semaphore(%run_scoped3A : memref<!tpu.dma_semaphore, #tpu.memory_space<semaphore_mem>>) src(%arg11 : memref<128x128xf32, #tpu.memory_space<vmem>>) dst(%dma_wait3A_55 : memref<128x128xf32, #tpu.memory_space<hbm>>)
        tpu.yield
      }) : () -> ()
    }
    %scan3A_7 = arith.constant 4 : i32
    %multiple_of3A = arith.constant 0 : i32
    %multiple_of3A_8 = tpu.assume_multiple %multiple_of3A, 8 : i32
    %dma_start3A = tpu.memref_slice %arg12[%multiple_of3A_8] : memref<5120xi32, #tpu.memory_space<vmem>> -> memref<128xi32, #tpu.memory_space<vmem>>
    %dma_start3A_9 = arith.constant 0 : i32
    %dma_start3A_10 = arith.constant 0 : i32
    %dma_start3A_11 = tpu.memref_slice %arg5[%dma_start3A_9, %dma_start3A_10] : memref<100000x128xf32, #tpu.memory_space<hbm>> -> memref<100000x128xf32, #tpu.memory_space<hbm>>
    tpu.enqueue_indirect_dma source(%dma_start3A_11 : memref<100000x128xf32, #tpu.memory_space<hbm>>) target(%arg14 : memref<128x128xf32, #tpu.memory_space<vmem>>) offsets(%dma_start3A : memref<128xi32, #tpu.memory_space<vmem>>) semaphore(%arg18 : memref<!tpu.dma_semaphore, #tpu.memory_space<semaphore_mem>>)
    %dma_start3A_12 = tpu.memref_slice %arg13[%multiple_of3A_8] : memref<5120xi32, #tpu.memory_space<vmem>> -> memref<128xi32, #tpu.memory_space<vmem>>
    %dma_start3A_13 = arith.constant 0 : i32
    %dma_start3A_14 = arith.constant 0 : i32
    %dma_start3A_15 = tpu.memref_slice %arg6[%dma_start3A_13, %dma_start3A_14] : memref<504x128xf32, #tpu.memory_space<hbm>> -> memref<504x128xf32, #tpu.memory_space<hbm>>
    tpu.enqueue_indirect_dma source(%dma_start3A_15 : memref<504x128xf32, #tpu.memory_space<hbm>>) target(%arg16 : memref<128x128xf32, #tpu.memory_space<vmem>>) offsets(%dma_start3A_12 : memref<128xi32, #tpu.memory_space<vmem>>) semaphore(%arg18 : memref<!tpu.dma_semaphore, #tpu.memory_space<semaphore_mem>>)
    %scan3A_16 = arith.constant 0 : i32
    %scan3A_17 = arith.constant 0 : i32
    %scan3A_18 = arith.constant 20 : i32
    %scan3A_19 = arith.addi %scan3A_17, %scan3A_18 : i32
    %scan3A_20 = arith.constant 1 : i32
    scf.for %scan3A_22 = %scan3A_17 to %scan3A_19 step %scan3A_20  : i32 {
      %mul3A_23 = arith.constant 2 : i32
      %mul3A_24 = arith.muli %scan3A_22, %mul3A_23 : i32
      %add3A_25 = arith.constant 1 : i32
      %add3A_26 = arith.addi %mul3A_24, %add3A_25 : i32
      %mul3A_27 = arith.constant 128 : i32
      %mul3A_28 = arith.muli %add3A_26, %mul3A_27 : i32
      %multiple_of3A_29 = tpu.assume_multiple %mul3A_28, 8 : i32
      %dma_start3A_30 = tpu.memref_slice %arg12[%multiple_of3A_29] : memref<5120xi32, #tpu.memory_space<vmem>> -> memref<128xi32, #tpu.memory_space<vmem>>
      %dma_start3A_31 = arith.constant 0 : i32
      %dma_start3A_32 = arith.constant 0 : i32
      %dma_start3A_33 = tpu.memref_slice %arg5[%dma_start3A_31, %dma_start3A_32] : memref<100000x128xf32, #tpu.memory_space<hbm>> -> memref<100000x128xf32, #tpu.memory_space<hbm>>
      tpu.enqueue_indirect_dma source(%dma_start3A_33 : memref<100000x128xf32, #tpu.memory_space<hbm>>) target(%arg15 : memref<128x128xf32, #tpu.memory_space<vmem>>) offsets(%dma_start3A_30 : memref<128xi32, #tpu.memory_space<vmem>>) semaphore(%arg19 : memref<!tpu.dma_semaphore, #tpu.memory_space<semaphore_mem>>)
      %dma_start3A_34 = tpu.memref_slice %arg13[%multiple_of3A_29] : memref<5120xi32, #tpu.memory_space<vmem>> -> memref<128xi32, #tpu.memory_space<vmem>>
      %dma_start3A_35 = arith.constant 0 : i32
      %dma_start3A_36 = arith.constant 0 : i32
      %dma_start3A_37 = tpu.memref_slice %arg6[%dma_start3A_35, %dma_start3A_36] : memref<504x128xf32, #tpu.memory_space<hbm>> -> memref<504x128xf32, #tpu.memory_space<hbm>>
      tpu.enqueue_indirect_dma source(%dma_start3A_37 : memref<504x128xf32, #tpu.memory_space<hbm>>) target(%arg17 : memref<128x128xf32, #tpu.memory_space<vmem>>) offsets(%dma_start3A_34 : memref<128xi32, #tpu.memory_space<vmem>>) semaphore(%arg19 : memref<!tpu.dma_semaphore, #tpu.memory_space<semaphore_mem>>)
      %dma_wait3A = arith.constant 0 : i32
      %dma_wait3A_38 = tpu.memref_slice %arg12[%dma_wait3A] : memref<5120xi32, #tpu.memory_space<vmem>> -> memref<128xi32, #tpu.memory_space<vmem>>
      %dma_wait3A_39 = arith.constant 0 : i32
      %dma_wait3A_40 = arith.constant 0 : i32
      %dma_wait3A_41 = tpu.memref_slice %arg5[%dma_wait3A_39, %dma_wait3A_40] : memref<100000x128xf32, #tpu.memory_space<hbm>> -> memref<100000x128xf32, #tpu.memory_space<hbm>>
      tpu.wait_indirect_dma semaphore(%arg18 : memref<!tpu.dma_semaphore, #tpu.memory_space<semaphore_mem>>) src(%dma_wait3A_41 : memref<100000x128xf32, #tpu.memory_space<hbm>>) dst(%arg14 : memref<128x128xf32, #tpu.memory_space<vmem>>)
      %dma_wait3A_42 = arith.constant 0 : i32
      %dma_wait3A_43 = tpu.memref_slice %arg13[%dma_wait3A_42] : memref<5120xi32, #tpu.memory_space<vmem>> -> memref<128xi32, #tpu.memory_space<vmem>>
      %dma_wait3A_44 = arith.constant 0 : i32
      %dma_wait3A_45 = arith.constant 0 : i32
      %dma_wait3A_46 = tpu.memref_slice %arg6[%dma_wait3A_44, %dma_wait3A_45] : memref<504x128xf32, #tpu.memory_space<hbm>> -> memref<504x128xf32, #tpu.memory_space<hbm>>
      tpu.wait_indirect_dma semaphore(%arg18 : memref<!tpu.dma_semaphore, #tpu.memory_space<semaphore_mem>>) src(%dma_wait3A_46 : memref<504x128xf32, #tpu.memory_space<hbm>>) dst(%arg16 : memref<128x128xf32, #tpu.memory_space<vmem>>)
      %scan3A_47 = arith.constant 0 : i32
      %scan3A_48 = arith.constant 0 : i32
      %scan3A_49 = arith.constant 128 : i32
      %scan3A_50 = arith.addi %scan3A_48, %scan3A_49 : i32
      %scan3A_51 = arith.constant 1 : i32
      scf.for %scan3A_158 = %scan3A_48 to %scan3A_50 step %scan3A_51  : i32 {
        %get3A = arith.index_cast %scan3A_158 : i32 to index
        %get3A_159 = arith.constant 0 : index
        %get3A_160 = tpu.vector_load %arg14[%get3A, %get3A_159] {strides = array<i32>} : memref<128x128xf32, #tpu.memory_space<vmem>>, vector<16xf32>,
        %get3A_161 = arith.index_cast %scan3A_158 : i32 to index
        %get3A_162 = arith.constant 0 : index
        %get3A_163 = tpu.vector_load %arg16[%get3A_161, %get3A_162] {strides = array<i32>} : memref<128x128xf32, #tpu.memory_space<vmem>>, vector<16xf32>,
        %add3A_164 = arith.addf %get3A_160, %get3A_163 : vector<16xf32>
        %max3A = arith.constant 0.000000e+00 : f32
        %max3A_165 = vector.broadcast %max3A : f32 to vector<16xf32>
        %max3A_166 = arith.maximumf %add3A_164, %max3A_165 : vector<16xf32>
        %swap3A = arith.index_cast %scan3A_158 : i32 to index
        %swap3A_167 = arith.constant 0 : index
        %swap3A_168 = tpu.vector_load %arg14[%swap3A, %swap3A_167] {strides = array<i32>} : memref<128x128xf32, #tpu.memory_space<vmem>>, vector<16xf32>,
        tpu.vector_store %arg14[%swap3A, %swap3A_167], %max3A_166 {strides = array<i32>} : memref<128x128xf32, #tpu.memory_space<vmem>>, vector<16xf32>,
        %get3A_169 = arith.index_cast %scan3A_158 : i32 to index
        %get3A_170 = arith.constant 16 : index
        %get3A_171 = tpu.vector_load %arg14[%get3A_169, %get3A_170] {strides = array<i32>} : memref<128x128xf32, #tpu.memory_space<vmem>>, vector<16xf32>,
        %get3A_172 = arith.index_cast %scan3A_158 : i32 to index
        %get3A_173 = arith.constant 16 : index
        %get3A_174 = tpu.vector_load %arg16[%get3A_172, %get3A_173] {strides = array<i32>} : memref<128x128xf32, #tpu.memory_space<vmem>>, vector<16xf32>,
        %add3A_175 = arith.addf %get3A_171, %get3A_174 : vector<16xf32>
        %max3A_176 = arith.constant 0.000000e+00 : f32
        %max3A_177 = vector.broadcast %max3A_176 : f32 to vector<16xf32>
        %max3A_178 = arith.maximumf %add3A_175, %max3A_177 : vector<16xf32>
        %swap3A_179 = arith.index_cast %scan3A_158 : i32 to index
        %swap3A_180 = arith.constant 16 : index
        %swap3A_181 = tpu.vector_load %arg14[%swap3A_179, %swap3A_180] {strides = array<i32>} : memref<128x128xf32, #tpu.memory_space<vmem>>, vector<16xf32>,
        tpu.vector_store %arg14[%swap3A_179, %swap3A_180], %max3A_178 {strides = array<i32>} : memref<128x128xf32, #tpu.memory_space<vmem>>, vector<16xf32>,
        %get3A_182 = arith.index_cast %scan3A_158 : i32 to index
        %get3A_183 = arith.constant 32 : index
        %get3A_184 = tpu.vector_load %arg14[%get3A_182, %get3A_183] {strides = array<i32>} : memref<128x128xf32, #tpu.memory_space<vmem>>, vector<16xf32>,
        %get3A_185 = arith.index_cast %scan3A_158 : i32 to index
        %get3A_186 = arith.constant 32 : index
        %get3A_187 = tpu.vector_load %arg16[%get3A_185, %get3A_186] {strides = array<i32>} : memref<128x128xf32, #tpu.memory_space<vmem>>, vector<16xf32>,
        %add3A_188 = arith.addf %get3A_184, %get3A_187 : vector<16xf32>
        %max3A_189 = arith.constant 0.000000e+00 : f32
        %max3A_190 = vector.broadcast %max3A_189 : f32 to vector<16xf32>
        %max3A_191 = arith.maximumf %add3A_188, %max3A_190 : vector<16xf32>
        %swap3A_192 = arith.index_cast %scan3A_158 : i32 to index
        %swap3A_193 = arith.constant 32 : index
        %swap3A_194 = tpu.vector_load %arg14[%swap3A_192, %swap3A_193] {strides = array<i32>} : memref<128x128xf32, #tpu.memory_space<vmem>>, vector<16xf32>,
        tpu.vector_store %arg14[%swap3A_192, %swap3A_193], %max3A_191 {strides = array<i32>} : memref<128x128xf32, #tpu.memory_space<vmem>>, vector<16xf32>,
        %get3A_195 = arith.index_cast %scan3A_158 : i32 to index
        %get3A_196 = arith.constant 48 : index
        %get3A_197 = tpu.vector_load %arg14[%get3A_195, %get3A_196] {strides = array<i32>} : memref<128x128xf32, #tpu.memory_space<vmem>>, vector<16xf32>,
        %get3A_198 = arith.index_cast %scan3A_158 : i32 to index
        %get3A_199 = arith.constant 48 : index
        %get3A_200 = tpu.vector_load %arg16[%get3A_198, %get3A_199] {strides = array<i32>} : memref<128x128xf32, #tpu.memory_space<vmem>>, vector<16xf32>,
        %add3A_201 = arith.addf %get3A_197, %get3A_200 : vector<16xf32>
        %max3A_202 = arith.constant 0.000000e+00 : f32
        %max3A_203 = vector.broadcast %max3A_202 : f32 to vector<16xf32>
        %max3A_204 = arith.maximumf %add3A_201, %max3A_203 : vector<16xf32>
        %swap3A_205 = arith.index_cast %scan3A_158 : i32 to index
        %swap3A_206 = arith.constant 48 : index
        %swap3A_207 = tpu.vector_load %arg14[%swap3A_205, %swap3A_206] {strides = array<i32>} : memref<128x128xf32, #tpu.memory_space<vmem>>, vector<16xf32>,
        tpu.vector_store %arg14[%swap3A_205, %swap3A_206], %max3A_204 {strides = array<i32>} : memref<128x128xf32, #tpu.memory_space<vmem>>, vector<16xf32>,
        %get3A_208 = arith.index_cast %scan3A_158 : i32 to index
        %get3A_209 = arith.constant 64 : index
        %get3A_210 = tpu.vector_load %arg14[%get3A_208, %get3A_209] {strides = array<i32>} : memref<128x128xf32, #tpu.memory_space<vmem>>, vector<16xf32>,
        %get3A_211 = arith.index_cast %scan3A_158 : i32 to index
        %get3A_212 = arith.constant 64 : index
        %get3A_213 = tpu.vector_load %arg16[%get3A_211, %get3A_212] {strides = array<i32>} : memref<128x128xf32, #tpu.memory_space<vmem>>, vector<16xf32>,
        %add3A_214 = arith.addf %get3A_210, %get3A_213 : vector<16xf32>
        %max3A_215 = arith.constant 0.000000e+00 : f32
        %max3A_216 = vector.broadcast %max3A_215 : f32 to vector<16xf32>
        %max3A_217 = arith.maximumf %add3A_214, %max3A_216 : vector<16xf32>
        %swap3A_218 = arith.index_cast %scan3A_158 : i32 to index
        %swap3A_219 = arith.constant 64 : index
        %swap3A_220 = tpu.vector_load %arg14[%swap3A_218, %swap3A_219] {strides = array<i32>} : memref<128x128xf32, #tpu.memory_space<vmem>>, vector<16xf32>,
        tpu.vector_store %arg14[%swap3A_218, %swap3A_219], %max3A_217 {strides = array<i32>} : memref<128x128xf32, #tpu.memory_space<vmem>>, vector<16xf32>,
        %get3A_221 = arith.index_cast %scan3A_158 : i32 to index
        %get3A_222 = arith.constant 80 : index
        %get3A_223 = tpu.vector_load %arg14[%get3A_221, %get3A_222] {strides = array<i32>} : memref<128x128xf32, #tpu.memory_space<vmem>>, vector<16xf32>,
        %get3A_224 = arith.index_cast %scan3A_158 : i32 to index
        %get3A_225 = arith.constant 80 : index
        %get3A_226 = tpu.vector_load %arg16[%get3A_224, %get3A_225] {strides = array<i32>} : memref<128x128xf32, #tpu.memory_space<vmem>>, vector<16xf32>,
        %add3A_227 = arith.addf %get3A_223, %get3A_226 : vector<16xf32>
        %max3A_228 = arith.constant 0.000000e+00 : f32
        %max3A_229 = vector.broadcast %max3A_228 : f32 to vector<16xf32>
        %max3A_230 = arith.maximumf %add3A_227, %max3A_229 : vector<16xf32>
        %swap3A_231 = arith.index_cast %scan3A_158 : i32 to index
        %swap3A_232 = arith.constant 80 : index
        %swap3A_233 = tpu.vector_load %arg14[%swap3A_231, %swap3A_232] {strides = array<i32>} : memref<128x128xf32, #tpu.memory_space<vmem>>, vector<16xf32>,
        tpu.vector_store %arg14[%swap3A_231, %swap3A_232], %max3A_230 {strides = array<i32>} : memref<128x128xf32, #tpu.memory_space<vmem>>, vector<16xf32>,
        %get3A_234 = arith.index_cast %scan3A_158 : i32 to index
        %get3A_235 = arith.constant 96 : index
        %get3A_236 = tpu.vector_load %arg14[%get3A_234, %get3A_235] {strides = array<i32>} : memref<128x128xf32, #tpu.memory_space<vmem>>, vector<16xf32>,
        %get3A_237 = arith.index_cast %scan3A_158 : i32 to index
        %get3A_238 = arith.constant 96 : index
        %get3A_239 = tpu.vector_load %arg16[%get3A_237, %get3A_238] {strides = array<i32>} : memref<128x128xf32, #tpu.memory_space<vmem>>, vector<16xf32>,
        %add3A_240 = arith.addf %get3A_236, %get3A_239 : vector<16xf32>
        %max3A_241 = arith.constant 0.000000e+00 : f32
        %max3A_242 = vector.broadcast %max3A_241 : f32 to vector<16xf32>
        %max3A_243 = arith.maximumf %add3A_240, %max3A_242 : vector<16xf32>
        %swap3A_244 = arith.index_cast %scan3A_158 : i32 to index
        %swap3A_245 = arith.constant 96 : index
        %swap3A_246 = tpu.vector_load %arg14[%swap3A_244, %swap3A_245] {strides = array<i32>} : memref<128x128xf32, #tpu.memory_space<vmem>>, vector<16xf32>,
        tpu.vector_store %arg14[%swap3A_244, %swap3A_245], %max3A_243 {strides = array<i32>} : memref<128x128xf32, #tpu.memory_space<vmem>>, vector<16xf32>,
        %get3A_247 = arith.index_cast %scan3A_158 : i32 to index
        %get3A_248 = arith.constant 112 : index
        %get3A_249 = tpu.vector_load %arg14[%get3A_247, %get3A_248] {strides = array<i32>} : memref<128x128xf32, #tpu.memory_space<vmem>>, vector<16xf32>,
        %get3A_250 = arith.index_cast %scan3A_158 : i32 to index
        %get3A_251 = arith.constant 112 : index
        %get3A_252 = tpu.vector_load %arg16[%get3A_250, %get3A_251] {strides = array<i32>} : memref<128x128xf32, #tpu.memory_space<vmem>>, vector<16xf32>,
        %add3A_253 = arith.addf %get3A_249, %get3A_252 : vector<16xf32>
        %max3A_254 = arith.constant 0.000000e+00 : f32
        %max3A_255 = vector.broadcast %max3A_254 : f32 to vector<16xf32>
        %max3A_256 = arith.maximumf %add3A_253, %max3A_255 : vector<16xf32>
        %swap3A_257 = arith.index_cast %scan3A_158 : i32 to index
        %swap3A_258 = arith.constant 112 : index
        %swap3A_259 = tpu.vector_load %arg14[%swap3A_257, %swap3A_258] {strides = array<i32>} : memref<128x128xf32, #tpu.memory_space<vmem>>, vector<16xf32>,
        tpu.vector_store %arg14[%swap3A_257, %swap3A_258], %max3A_256 {strides = array<i32>} : memref<128x128xf32, #tpu.memory_space<vmem>>, vector<16xf32>,
      }
      %scan3A_52 = arith.constant 128 : i32
      %jit3A = arith.constant 4 : i32
      %div3A = arith.divsi %mul3A_24, %jit3A : i32
      %sign3A = arith.constant 0 : i32
      %sign3A_53 = arith.cmpi sgt, %mul3A_24, %sign3A : i32
      %sign3A_54 = arith.extui %sign3A_53 : i1 to i32
      %sign3A_55 = arith.constant 0 : i32
      %sign3A_56 = arith.cmpi slt, %mul3A_24, %sign3A_55 : i32
      %sign3A_57 = arith.extui %sign3A_56 : i1 to i32
      %sign3A_58 = arith.subi %sign3A_54, %sign3A_57 : i32
      %sign3A_59 = arith.constant 0 : i32
      %sign3A_60 = arith.cmpi sgt, %jit3A, %sign3A_59 : i32
      %sign3A_61 = arith.extui %sign3A_60 : i1 to i32
      %sign3A_62 = arith.constant 0 : i32
      %sign3A_63 = arith.cmpi slt, %jit3A, %sign3A_62 : i32
      %sign3A_64 = arith.extui %sign3A_63 : i1 to i32
      %sign3A_65 = arith.subi %sign3A_61, %sign3A_64 : i32
      %ne3A = arith.cmpi ne, %sign3A_58, %sign3A_65 : i32
      %rem3A = arith.remsi %mul3A_24, %jit3A : i32
      %ne3A_66 = arith.constant 0 : i32
      %ne3A_67 = arith.cmpi ne, %rem3A, %ne3A_66 : i32
      %and3A = arith.andi %ne3A, %ne3A_67 : i1
      %sub3A = arith.constant 1 : i32
      %sub3A_68 = arith.subi %div3A, %sub3A : i32
      %select_n3A = arith.select %and3A, %sub3A_68, %div3A : i32
      %jit3A_69 = arith.constant 4 : i32
      %eq3A = arith.constant 0 : i32
      %eq3A_70 = arith.cmpi eq, %jit3A_69, %eq3A : i32
      %jit3A_71 = arith.constant 1 : i32
      %select_n3A_72 = arith.select %eq3A_70, %jit3A_71, %jit3A_69 : i32
      %rem3A_73 = arith.remsi %mul3A_24, %select_n3A_72 : i32
      %ne3A_74 = arith.constant 0 : i32
      %ne3A_75 = arith.cmpi ne, %rem3A_73, %ne3A_74 : i32
      %lt3A = arith.constant 0 : i32
      %lt3A_76 = arith.cmpi slt, %rem3A_73, %lt3A : i32
      %lt3A_77 = arith.constant 0 : i32
      %lt3A_78 = arith.cmpi slt, %select_n3A_72, %lt3A_77 : i32
      %ne3A_79 = arith.xori %lt3A_76, %lt3A_78 : i1
      %and3A_80 = arith.andi %ne3A_79, %ne3A_75 : i1
      %add3A_81 = arith.addi %rem3A_73, %select_n3A_72 : i32
      %select_n3A_82 = arith.select %and3A_80, %add3A_81, %rem3A_73 : i32
      %mul3A_83 = arith.constant 128 : i32
      %mul3A_84 = arith.muli %select_n3A_82, %mul3A_83 : i32
      %mul3A_85 = arith.constant 16384 : i32
      %mul3A_86 = arith.muli %select_n3A, %mul3A_85 : i32
      %add3A_87 = arith.addi %mul3A_86, %mul3A_2 : i32
      %add3A_88 = arith.addi %add3A_87, %mul3A_84 : i32
      "tpu.region"() ({
        %run_scoped3A = tpu.sem_alloc : memref<!tpu.dma_semaphore, #tpu.memory_space<semaphore_mem>>
        %dma_start3A_158 = arith.constant 0 : i32
        %dma_start3A_159 = tpu.memref_slice %arg7[%add3A_88, %dma_start3A_158] : memref<163840x128xf32, #tpu.memory_space<hbm>> -> memref<128x128xf32, #tpu.memory_space<hbm>>
        %dma_start3A_160 = arith.constant 0 : i32
        %dma_start3A_161 = tpu.memref_slice %arg7[%add3A_88, %dma_start3A_160] : memref<163840x128xf32, #tpu.memory_space<hbm>> -> memref<128x128xf32, #tpu.memory_space<hbm>>
        tpu.enqueue_dma source(%arg14 : memref<128x128xf32, #tpu.memory_space<vmem>>) target(%dma_start3A_161 : memref<128x128xf32, #tpu.memory_space<hbm>>) target_semaphore(%run_scoped3A : memref<!tpu.dma_semaphore, #tpu.memory_space<semaphore_mem>>)
        %dma_wait3A_162 = arith.constant 0 : i32
        %dma_wait3A_163 = tpu.memref_slice %arg7[%add3A_88, %dma_wait3A_162] : memref<163840x128xf32, #tpu.memory_space<hbm>> -> memref<128x128xf32, #tpu.memory_space<hbm>>
        %dma_wait3A_164 = arith.constant 0 : i32
        %dma_wait3A_165 = tpu.memref_slice %arg7[%add3A_88, %dma_wait3A_164] : memref<163840x128xf32, #tpu.memory_space<hbm>> -> memref<128x128xf32, #tpu.memory_space<hbm>>
        tpu.wait_dma2 semaphore(%run_scoped3A : memref<!tpu.dma_semaphore, #tpu.memory_space<semaphore_mem>>) src(%arg14 : memref<128x128xf32, #tpu.memory_space<vmem>>) dst(%dma_wait3A_165 : memref<128x128xf32, #tpu.memory_space<hbm>>)
        tpu.yield
      }) : () -> ()
      %add3A_89 = arith.constant 2 : i32
      %add3A_90 = arith.addi %mul3A_24, %add3A_89 : i32
      %lt3A_91 = arith.constant 40 : i32
      %lt3A_92 = arith.cmpi slt, %add3A_90, %lt3A_91 : i32
      %convert_element_type3A = arith.extui %lt3A_92 : i1 to i32
      %cond3A = arith.constant 0 : i32
      %cond3A_93 = arith.cmpi ne, %convert_element_type3A, %cond3A : i32
      scf.if %cond3A_93 {
        %add3A_158 = arith.constant 2 : i32
        %add3A_159 = arith.addi %mul3A_24, %add3A_158 : i32
        %mul3A_160 = arith.constant 128 : i32
        %mul3A_161 = arith.muli %add3A_159, %mul3A_160 : i32
        %multiple_of3A_162 = tpu.assume_multiple %mul3A_161, 8 : i32
        %dma_start3A_163 = tpu.memref_slice %arg12[%multiple_of3A_162] : memref<5120xi32, #tpu.memory_space<vmem>> -> memref<128xi32, #tpu.memory_space<vmem>>
        %dma_start3A_164 = arith.constant 0 : i32
        %dma_start3A_165 = arith.constant 0 : i32
        %dma_start3A_166 = tpu.memref_slice %arg5[%dma_start3A_164, %dma_start3A_165] : memref<100000x128xf32, #tpu.memory_space<hbm>> -> memref<100000x128xf32, #tpu.memory_space<hbm>>
        tpu.enqueue_indirect_dma source(%dma_start3A_166 : memref<100000x128xf32, #tpu.memory_space<hbm>>) target(%arg14 : memref<128x128xf32, #tpu.memory_space<vmem>>) offsets(%dma_start3A_163 : memref<128xi32, #tpu.memory_space<vmem>>) semaphore(%arg18 : memref<!tpu.dma_semaphore, #tpu.memory_space<semaphore_mem>>)
        %dma_start3A_167 = tpu.memref_slice %arg13[%multiple_of3A_162] : memref<5120xi32, #tpu.memory_space<vmem>> -> memref<128xi32, #tpu.memory_space<vmem>>
        %dma_start3A_168 = arith.constant 0 : i32
        %dma_start3A_169 = arith.constant 0 : i32
        %dma_start3A_170 = tpu.memref_slice %arg6[%dma_start3A_168, %dma_start3A_169] : memref<504x128xf32, #tpu.memory_space<hbm>> -> memref<504x128xf32, #tpu.memory_space<hbm>>
        tpu.enqueue_indirect_dma source(%dma_start3A_170 : memref<504x128xf32, #tpu.memory_space<hbm>>) target(%arg16 : memref<128x128xf32, #tpu.memory_space<vmem>>) offsets(%dma_start3A_167 : memref<128xi32, #tpu.memory_space<vmem>>) semaphore(%arg18 : memref<!tpu.dma_semaphore, #tpu.memory_space<semaphore_mem>>)
      } else {
      }
      %dma_wait3A_94 = arith.constant 0 : i32
      %dma_wait3A_95 = tpu.memref_slice %arg12[%dma_wait3A_94] : memref<5120xi32, #tpu.memory_space<vmem>> -> memref<128xi32, #tpu.memory_space<vmem>>
      %dma_wait3A_96 = arith.constant 0 : i32
      %dma_wait3A_97 = arith.constant 0 : i32
      %dma_wait3A_98 = tpu.memref_slice %arg5[%dma_wait3A_96, %dma_wait3A_97] : memref<100000x128xf32, #tpu.memory_space<hbm>> -> memref<100000x128xf32, #tpu.memory_space<hbm>>
      tpu.wait_indirect_dma semaphore(%arg19 : memref<!tpu.dma_semaphore, #tpu.memory_space<semaphore_mem>>) src(%dma_wait3A_98 : memref<100000x128xf32, #tpu.memory_space<hbm>>) dst(%arg15 : memref<128x128xf32, #tpu.memory_space<vmem>>)
      %dma_wait3A_99 = arith.constant 0 : i32
      %dma_wait3A_100 = tpu.memref_slice %arg13[%dma_wait3A_99] : memref<5120xi32, #tpu.memory_space<vmem>> -> memref<128xi32, #tpu.memory_space<vmem>>
      %dma_wait3A_101 = arith.constant 0 : i32
      %dma_wait3A_102 = arith.constant 0 : i32
      %dma_wait3A_103 = tpu.memref_slice %arg6[%dma_wait3A_101, %dma_wait3A_102] : memref<504x128xf32, #tpu.memory_space<hbm>> -> memref<504x128xf32, #tpu.memory_space<hbm>>
      tpu.wait_indirect_dma semaphore(%arg19 : memref<!tpu.dma_semaphore, #tpu.memory_space<semaphore_mem>>) src(%dma_wait3A_103 : memref<504x128xf32, #tpu.memory_space<hbm>>) dst(%arg17 : memref<128x128xf32, #tpu.memory_space<vmem>>)
      %add3A_104 = arith.constant 1 : i32
      %add3A_105 = arith.addi %mul3A_24, %add3A_104 : i32
      %scan3A_106 = arith.constant 0 : i32
      %scan3A_107 = arith.constant 0 : i32
      %scan3A_108 = arith.constant 128 : i32
      %scan3A_109 = arith.addi %scan3A_107, %scan3A_108 : i32
      %scan3A_110 = arith.constant 1 : i32
      scf.for %scan3A_158 = %scan3A_107 to %scan3A_109 step %scan3A_110  : i32 {
        %get3A = arith.index_cast %scan3A_158 : i32 to index
        %get3A_159 = arith.constant 0 : index
        %get3A_160 = tpu.vector_load %arg15[%get3A, %get3A_159] {strides = array<i32>} : memref<128x128xf32, #tpu.memory_space<vmem>>, vector<16xf32>,
        %get3A_161 = arith.index_cast %scan3A_158 : i32 to index
        %get3A_162 = arith.constant 0 : index
        %get3A_163 = tpu.vector_load %arg17[%get3A_161, %get3A_162] {strides = array<i32>} : memref<128x128xf32, #tpu.memory_space<vmem>>, vector<16xf32>,
        %add3A_164 = arith.addf %get3A_160, %get3A_163 : vector<16xf32>
        %max3A = arith.constant 0.000000e+00 : f32
        %max3A_165 = vector.broadcast %max3A : f32 to vector<16xf32>
        %max3A_166 = arith.maximumf %add3A_164, %max3A_165 : vector<16xf32>
        %swap3A = arith.index_cast %scan3A_158 : i32 to index
        %swap3A_167 = arith.constant 0 : index
        %swap3A_168 = tpu.vector_load %arg15[%swap3A, %swap3A_167] {strides = array<i32>} : memref<128x128xf32, #tpu.memory_space<vmem>>, vector<16xf32>,
        tpu.vector_store %arg15[%swap3A, %swap3A_167], %max3A_166 {strides = array<i32>} : memref<128x128xf32, #tpu.memory_space<vmem>>, vector<16xf32>,
        %get3A_169 = arith.index_cast %scan3A_158 : i32 to index
        %get3A_170 = arith.constant 16 : index
        %get3A_171 = tpu.vector_load %arg15[%get3A_169, %get3A_170] {strides = array<i32>} : memref<128x128xf32, #tpu.memory_space<vmem>>, vector<16xf32>,
        %get3A_172 = arith.index_cast %scan3A_158 : i32 to index
        %get3A_173 = arith.constant 16 : index
        %get3A_174 = tpu.vector_load %arg17[%get3A_172, %get3A_173] {strides = array<i32>} : memref<128x128xf32, #tpu.memory_space<vmem>>, vector<16xf32>,
        %add3A_175 = arith.addf %get3A_171, %get3A_174 : vector<16xf32>
        %max3A_176 = arith.constant 0.000000e+00 : f32
        %max3A_177 = vector.broadcast %max3A_176 : f32 to vector<16xf32>
        %max3A_178 = arith.maximumf %add3A_175, %max3A_177 : vector<16xf32>
        %swap3A_179 = arith.index_cast %scan3A_158 : i32 to index
        %swap3A_180 = arith.constant 16 : index
        %swap3A_181 = tpu.vector_load %arg15[%swap3A_179, %swap3A_180] {strides = array<i32>} : memref<128x128xf32, #tpu.memory_space<vmem>>, vector<16xf32>,
        tpu.vector_store %arg15[%swap3A_179, %swap3A_180], %max3A_178 {strides = array<i32>} : memref<128x128xf32, #tpu.memory_space<vmem>>, vector<16xf32>,
        %get3A_182 = arith.index_cast %scan3A_158 : i32 to index
        %get3A_183 = arith.constant 32 : index
        %get3A_184 = tpu.vector_load %arg15[%get3A_182, %get3A_183] {strides = array<i32>} : memref<128x128xf32, #tpu.memory_space<vmem>>, vector<16xf32>,
        %get3A_185 = arith.index_cast %scan3A_158 : i32 to index
        %get3A_186 = arith.constant 32 : index
        %get3A_187 = tpu.vector_load %arg17[%get3A_185, %get3A_186] {strides = array<i32>} : memref<128x128xf32, #tpu.memory_space<vmem>>, vector<16xf32>,
        %add3A_188 = arith.addf %get3A_184, %get3A_187 : vector<16xf32>
        %max3A_189 = arith.constant 0.000000e+00 : f32
        %max3A_190 = vector.broadcast %max3A_189 : f32 to vector<16xf32>
        %max3A_191 = arith.maximumf %add3A_188, %max3A_190 : vector<16xf32>
        %swap3A_192 = arith.index_cast %scan3A_158 : i32 to index
        %swap3A_193 = arith.constant 32 : index
        %swap3A_194 = tpu.vector_load %arg15[%swap3A_192, %swap3A_193] {strides = array<i32>} : memref<128x128xf32, #tpu.memory_space<vmem>>, vector<16xf32>,
        tpu.vector_store %arg15[%swap3A_192, %swap3A_193], %max3A_191 {strides = array<i32>} : memref<128x128xf32, #tpu.memory_space<vmem>>, vector<16xf32>,
        %get3A_195 = arith.index_cast %scan3A_158 : i32 to index
        %get3A_196 = arith.constant 48 : index
        %get3A_197 = tpu.vector_load %arg15[%get3A_195, %get3A_196] {strides = array<i32>} : memref<128x128xf32, #tpu.memory_space<vmem>>, vector<16xf32>,
        %get3A_198 = arith.index_cast %scan3A_158 : i32 to index
        %get3A_199 = arith.constant 48 : index
        %get3A_200 = tpu.vector_load %arg17[%get3A_198, %get3A_199] {strides = array<i32>} : memref<128x128xf32, #tpu.memory_space<vmem>>, vector<16xf32>,
        %add3A_201 = arith.addf %get3A_197, %get3A_200 : vector<16xf32>
        %max3A_202 = arith.constant 0.000000e+00 : f32
        %max3A_203 = vector.broadcast %max3A_202 : f32 to vector<16xf32>
        %max3A_204 = arith.maximumf %add3A_201, %max3A_203 : vector<16xf32>
        %swap3A_205 = arith.index_cast %scan3A_158 : i32 to index
        %swap3A_206 = arith.constant 48 : index
        %swap3A_207 = tpu.vector_load %arg15[%swap3A_205, %swap3A_206] {strides = array<i32>} : memref<128x128xf32, #tpu.memory_space<vmem>>, vector<16xf32>,
        tpu.vector_store %arg15[%swap3A_205, %swap3A_206], %max3A_204 {strides = array<i32>} : memref<128x128xf32, #tpu.memory_space<vmem>>, vector<16xf32>,
        %get3A_208 = arith.index_cast %scan3A_158 : i32 to index
        %get3A_209 = arith.constant 64 : index
        %get3A_210 = tpu.vector_load %arg15[%get3A_208, %get3A_209] {strides = array<i32>} : memref<128x128xf32, #tpu.memory_space<vmem>>, vector<16xf32>,
        %get3A_211 = arith.index_cast %scan3A_158 : i32 to index
        %get3A_212 = arith.constant 64 : index
        %get3A_213 = tpu.vector_load %arg17[%get3A_211, %get3A_212] {strides = array<i32>} : memref<128x128xf32, #tpu.memory_space<vmem>>, vector<16xf32>,
        %add3A_214 = arith.addf %get3A_210, %get3A_213 : vector<16xf32>
        %max3A_215 = arith.constant 0.000000e+00 : f32
        %max3A_216 = vector.broadcast %max3A_215 : f32 to vector<16xf32>
        %max3A_217 = arith.maximumf %add3A_214, %max3A_216 : vector<16xf32>
        %swap3A_218 = arith.index_cast %scan3A_158 : i32 to index
        %swap3A_219 = arith.constant 64 : index
        %swap3A_220 = tpu.vector_load %arg15[%swap3A_218, %swap3A_219] {strides = array<i32>} : memref<128x128xf32, #tpu.memory_space<vmem>>, vector<16xf32>,
        tpu.vector_store %arg15[%swap3A_218, %swap3A_219], %max3A_217 {strides = array<i32>} : memref<128x128xf32, #tpu.memory_space<vmem>>, vector<16xf32>,
        %get3A_221 = arith.index_cast %scan3A_158 : i32 to index
        %get3A_222 = arith.constant 80 : index
        %get3A_223 = tpu.vector_load %arg15[%get3A_221, %get3A_222] {strides = array<i32>} : memref<128x128xf32, #tpu.memory_space<vmem>>, vector<16xf32>,
        %get3A_224 = arith.index_cast %scan3A_158 : i32 to index
        %get3A_225 = arith.constant 80 : index
        %get3A_226 = tpu.vector_load %arg17[%get3A_224, %get3A_225] {strides = array<i32>} : memref<128x128xf32, #tpu.memory_space<vmem>>, vector<16xf32>,
        %add3A_227 = arith.addf %get3A_223, %get3A_226 : vector<16xf32>
        %max3A_228 = arith.constant 0.000000e+00 : f32
        %max3A_229 = vector.broadcast %max3A_228 : f32 to vector<16xf32>
        %max3A_230 = arith.maximumf %add3A_227, %max3A_229 : vector<16xf32>
        %swap3A_231 = arith.index_cast %scan3A_158 : i32 to index
        %swap3A_232 = arith.constant 80 : index
        %swap3A_233 = tpu.vector_load %arg15[%swap3A_231, %swap3A_232] {strides = array<i32>} : memref<128x128xf32, #tpu.memory_space<vmem>>, vector<16xf32>,
        tpu.vector_store %arg15[%swap3A_231, %swap3A_232], %max3A_230 {strides = array<i32>} : memref<128x128xf32, #tpu.memory_space<vmem>>, vector<16xf32>,
        %get3A_234 = arith.index_cast %scan3A_158 : i32 to index
        %get3A_235 = arith.constant 96 : index
        %get3A_236 = tpu.vector_load %arg15[%get3A_234, %get3A_235] {strides = array<i32>} : memref<128x128xf32, #tpu.memory_space<vmem>>, vector<16xf32>,
        %get3A_237 = arith.index_cast %scan3A_158 : i32 to index
        %get3A_238 = arith.constant 96 : index
        %get3A_239 = tpu.vector_load %arg17[%get3A_237, %get3A_238] {strides = array<i32>} : memref<128x128xf32, #tpu.memory_space<vmem>>, vector<16xf32>,
        %add3A_240 = arith.addf %get3A_236, %get3A_239 : vector<16xf32>
        %max3A_241 = arith.constant 0.000000e+00 : f32
        %max3A_242 = vector.broadcast %max3A_241 : f32 to vector<16xf32>
        %max3A_243 = arith.maximumf %add3A_240, %max3A_242 : vector<16xf32>
        %swap3A_244 = arith.index_cast %scan3A_158 : i32 to index
        %swap3A_245 = arith.constant 96 : index
        %swap3A_246 = tpu.vector_load %arg15[%swap3A_244, %swap3A_245] {strides = array<i32>} : memref<128x128xf32, #tpu.memory_space<vmem>>, vector<16xf32>,
        tpu.vector_store %arg15[%swap3A_244, %swap3A_245], %max3A_243 {strides = array<i32>} : memref<128x128xf32, #tpu.memory_space<vmem>>, vector<16xf32>,
        %get3A_247 = arith.index_cast %scan3A_158 : i32 to index
        %get3A_248 = arith.constant 112 : index
        %get3A_249 = tpu.vector_load %arg15[%get3A_247, %get3A_248] {strides = array<i32>} : memref<128x128xf32, #tpu.memory_space<vmem>>, vector<16xf32>,
        %get3A_250 = arith.index_cast %scan3A_158 : i32 to index
        %get3A_251 = arith.constant 112 : index
        %get3A_252 = tpu.vector_load %arg17[%get3A_250, %get3A_251] {strides = array<i32>} : memref<128x128xf32, #tpu.memory_space<vmem>>, vector<16xf32>,
        %add3A_253 = arith.addf %get3A_249, %get3A_252 : vector<16xf32>
        %max3A_254 = arith.constant 0.000000e+00 : f32
        %max3A_255 = vector.broadcast %max3A_254 : f32 to vector<16xf32>
        %max3A_256 = arith.maximumf %add3A_253, %max3A_255 : vector<16xf32>
        %swap3A_257 = arith.index_cast %scan3A_158 : i32 to index
        %swap3A_258 = arith.constant 112 : index
        %swap3A_259 = tpu.vector_load %arg15[%swap3A_257, %swap3A_258] {strides = array<i32>} : memref<128x128xf32, #tpu.memory_space<vmem>>, vector<16xf32>,
        tpu.vector_store %arg15[%swap3A_257, %swap3A_258], %max3A_256 {strides = array<i32>} : memref<128x128xf32, #tpu.memory_space<vmem>>, vector<16xf32>,
      }
      %scan3A_111 = arith.constant 128 : i32
      %jit3A_112 = arith.constant 4 : i32
      %div3A_113 = arith.divsi %add3A_105, %jit3A_112 : i32
      %sign3A_114 = arith.constant 0 : i32
      %sign3A_115 = arith.cmpi sgt, %add3A_105, %sign3A_114 : i32
      %sign3A_116 = arith.extui %sign3A_115 : i1 to i32
      %sign3A_117 = arith.constant 0 : i32
      %sign3A_118 = arith.cmpi slt, %add3A_105, %sign3A_117 : i32
      %sign3A_119 = arith.extui %sign3A_118 : i1 to i32
      %sign3A_120 = arith.subi %sign3A_116, %sign3A_119 : i32
      %sign3A_121 = arith.constant 0 : i32
      %sign3A_122 = arith.cmpi sgt, %jit3A_112, %sign3A_121 : i32
      %sign3A_123 = arith.extui %sign3A_122 : i1 to i32
      %sign3A_124 = arith.constant 0 : i32
      %sign3A_125 = arith.cmpi slt, %jit3A_112, %sign3A_124 : i32
      %sign3A_126 = arith.extui %sign3A_125 : i1 to i32
      %sign3A_127 = arith.subi %sign3A_123, %sign3A_126 : i32
      %ne3A_128 = arith.cmpi ne, %sign3A_120, %sign3A_127 : i32
      %rem3A_129 = arith.remsi %add3A_105, %jit3A_112 : i32
      %ne3A_130 = arith.constant 0 : i32
      %ne3A_131 = arith.cmpi ne, %rem3A_129, %ne3A_130 : i32
      %and3A_132 = arith.andi %ne3A_128, %ne3A_131 : i1
      %sub3A_133 = arith.constant 1 : i32
      %sub3A_134 = arith.subi %div3A_113, %sub3A_133 : i32
      %select_n3A_135 = arith.select %and3A_132, %sub3A_134, %div3A_113 : i32
      %jit3A_136 = arith.constant 4 : i32
      %eq3A_137 = arith.constant 0 : i32
      %eq3A_138 = arith.cmpi eq, %jit3A_136, %eq3A_137 : i32
      %jit3A_139 = arith.constant 1 : i32
      %select_n3A_140 = arith.select %eq3A_138, %jit3A_139, %jit3A_136 : i32
      %rem3A_141 = arith.remsi %add3A_105, %select_n3A_140 : i32
      %ne3A_142 = arith.constant 0 : i32
      %ne3A_143 = arith.cmpi ne, %rem3A_141, %ne3A_142 : i32
      %lt3A_144 = arith.constant 0 : i32
      %lt3A_145 = arith.cmpi slt, %rem3A_141, %lt3A_144 : i32
      %lt3A_146 = arith.constant 0 : i32
      %lt3A_147 = arith.cmpi slt, %select_n3A_140, %lt3A_146 : i32
      %ne3A_148 = arith.xori %lt3A_145, %lt3A_147 : i1
      %and3A_149 = arith.andi %ne3A_148, %ne3A_143 : i1
      %add3A_150 = arith.addi %rem3A_141, %select_n3A_140 : i32
      %select_n3A_151 = arith.select %and3A_149, %add3A_150, %rem3A_141 : i32
      %mul3A_152 = arith.constant 128 : i32
      %mul3A_153 = arith.muli %select_n3A_151, %mul3A_152 : i32
      %mul3A_154 = arith.constant 16384 : i32
      %mul3A_155 = arith.muli %select_n3A_135, %mul3A_154 : i32
      %add3A_156 = arith.addi %mul3A_155, %mul3A_2 : i32
      %add3A_157 = arith.addi %add3A_156, %mul3A_153 : i32
      "tpu.region"() ({
        %run_scoped3A = tpu.sem_alloc : memref<!tpu.dma_semaphore, #tpu.memory_space<semaphore_mem>>
        %dma_start3A_158 = arith.constant 0 : i32
        %dma_start3A_159 = tpu.memref_slice %arg7[%add3A_157, %dma_start3A_158] : memref<163840x128xf32, #tpu.memory_space<hbm>> -> memref<128x128xf32, #tpu.memory_space<hbm>>
        %dma_start3A_160 = arith.constant 0 : i32
        %dma_start3A_161 = tpu.memref_slice %arg7[%add3A_157, %dma_start3A_160] : memref<163840x128xf32, #tpu.memory_space<hbm>> -> memref<128x128xf32, #tpu.memory_space<hbm>>
        tpu.enqueue_dma source(%arg15 : memref<128x128xf32, #tpu.memory_space<vmem>>) target(%dma_start3A_161 : memref<128x128xf32, #tpu.memory_space<hbm>>) target_semaphore(%run_scoped3A : memref<!tpu.dma_semaphore, #tpu.memory_space<semaphore_mem>>)
        %dma_wait3A_162 = arith.constant 0 : i32
        %dma_wait3A_163 = tpu.memref_slice %arg7[%add3A_157, %dma_wait3A_162] : memref<163840x128xf32, #tpu.memory_space<hbm>> -> memref<128x128xf32, #tpu.memory_space<hbm>>
        %dma_wait3A_164 = arith.constant 0 : i32
        %dma_wait3A_165 = tpu.memref_slice %arg7[%add3A_157, %dma_wait3A_164] : memref<163840x128xf32, #tpu.memory_space<hbm>> -> memref<128x128xf32, #tpu.memory_space<hbm>>
        tpu.wait_dma2 semaphore(%run_scoped3A : memref<!tpu.dma_semaphore, #tpu.memory_space<semaphore_mem>>) src(%arg15 : memref<128x128xf32, #tpu.memory_space<vmem>>) dst(%dma_wait3A_165 : memref<128x128xf32, #tpu.memory_space<hbm>>)
        tpu.yield
      }) : () -> ()
    }
    %scan3A_21 = arith.constant 20 : i32
    return
  }
}

module attributes {stable_mosaic.version = 14 : i64} {
  func.func @_packproj_body(%arg0: i32, %arg1: memref<2000x128xf32, #tpu.memory_space<vmem>>, %arg2: memref<128x128xf32, #tpu.memory_space<vmem>>, %arg3: memref<2000x10xi32, #tpu.memory_space<vmem>>, %arg4: memref<2000x10xi32, #tpu.memory_space<vmem>>, %arg5: memref<504x128xf32, #tpu.memory_space<vmem>>, %arg6: memref<128x128xf32, #tpu.memory_space<vmem>>, %arg7: memref<1x128xf32, #tpu.memory_space<vmem>>, %arg8: memref<2000x128xf32, #tpu.memory_space<vmem>>, %arg9: memref<2000x128xi32, #tpu.memory_space<vmem>>, %arg10: memref<504x128xf32, #tpu.memory_space<vmem>>) attributes {dimension_semantics = [#tpu.dimension_semantics<arbitrary>], iteration_bounds = array<i64: 50>, scalar_prefetch = 0 : i64, scratch_operands = 0 : i64, tpu.core_type = #tpu.core_type<tc>, window_params = [{transform_indices = @transform_0, window_bounds = array<i64: 2000, 128>}, {pipeline_mode = #tpu.pipeline_mode<synchronous>, transform_indices = @transform_1, window_bounds = array<i64: 128, 128>}, {transform_indices = @transform_2, window_bounds = array<i64: 2000, 10>}, {transform_indices = @transform_3, window_bounds = array<i64: 2000, 10>}, {pipeline_mode = #tpu.pipeline_mode<synchronous>, transform_indices = @transform_4, window_bounds = array<i64: 504, 128>}, {pipeline_mode = #tpu.pipeline_mode<synchronous>, transform_indices = @transform_5, window_bounds = array<i64: 128, 128>}, {pipeline_mode = #tpu.pipeline_mode<synchronous>, transform_indices = @transform_6, window_bounds = array<i64: 1, 128>}, {transform_indices = @transform_7, window_bounds = array<i64: 2000, 128>}, {transform_indices = @transform_8, window_bounds = array<i64: 2000, 128>}, {pipeline_mode = #tpu.pipeline_mode<synchronous>, transform_indices = @transform_9, window_bounds = array<i64: 504, 128>}]} {
    %get3A = arith.constant 0 : index
    %get3A_0 = arith.constant 0 : index
    %get3A_1 = vector.load %arg1[%get3A, %get3A_0] : memref<2000x128xf32, #tpu.memory_space<vmem>>, vector<2000x128xf32>
    %get3A_2 = arith.constant 0 : index
    %get3A_3 = arith.constant 0 : index
    %get3A_4 = vector.load %arg2[%get3A_2, %get3A_3] : memref<128x128xf32, #tpu.memory_space<vmem>>, vector<128x128xf32>
    %dot_general3A = arith.constant dense<0.000000e+00> : vector<2000x128xf32>
    %dot_general3A_5 = tpu.matmul %get3A_1, %get3A_4, %dot_general3A {dimension_numbers = #tpu.dot_dimension_numbers<[1], [0], [0], [1], [0, 0, 1, 1], [], []>, transpose_lhs_hint = false} : vector<2000x128xf32>, vector<128x128xf32>, vector<2000x128xf32> -> vector<2000x128xf32>
    %swap3A = arith.constant 0 : index
    %swap3A_6 = arith.constant 0 : index
    %swap3A_7 = vector.load %arg8[%swap3A, %swap3A_6] : memref<2000x128xf32, #tpu.memory_space<vmem>>, vector<2000x128xf32>
    tpu.vector_store %arg8[%swap3A, %swap3A_6], %dot_general3A_5 {strides = array<i32>} : memref<2000x128xf32, #tpu.memory_space<vmem>>, vector<2000x128xf32>,
    %get3A_8 = arith.constant 0 : index
    %get3A_9 = arith.constant 0 : index
    %get3A_10 = vector.load %arg3[%get3A_8, %get3A_9] : memref<2000x10xi32, #tpu.memory_space<vmem>>, vector<2000x10xi32>
    %get3A_11 = arith.constant 0 : index
    %get3A_12 = arith.constant 0 : index
    %get3A_13 = vector.load %arg4[%get3A_11, %get3A_12] : memref<2000x10xi32, #tpu.memory_space<vmem>>, vector<2000x10xi32>
    %broadcast_in_dim3A = arith.constant 0 : i32
    %broadcast_in_dim3A_14 = vector.broadcast %broadcast_in_dim3A : i32 to vector<2000x108xi32>
    %concatenate3A = tpu.concatenate %get3A_10, %get3A_13, %broadcast_in_dim3A_14 in 1 : vector<2000x10xi32>, vector<2000x10xi32>, vector<2000x108xi32> -> vector<2000x128xi32>
    %swap3A_15 = arith.constant 0 : index
    %swap3A_16 = arith.constant 0 : index
    %swap3A_17 = vector.load %arg9[%swap3A_15, %swap3A_16] : memref<2000x128xi32, #tpu.memory_space<vmem>>, vector<2000x128xi32>
    tpu.vector_store %arg9[%swap3A_15, %swap3A_16], %concatenate3A {strides = array<i32>} : memref<2000x128xi32, #tpu.memory_space<vmem>>, vector<2000x128xi32>,
    %eq3A = arith.constant 0 : i32
    %eq3A_18 = arith.cmpi eq, %arg0, %eq3A : i32
    %convert_element_type3A = arith.extui %eq3A_18 : i1 to i32
    %cond3A = arith.constant 0 : i32
    %cond3A_19 = arith.cmpi ne, %convert_element_type3A, %cond3A : i32
    scf.if %cond3A_19 {
      %get3A_20 = arith.constant 0 : index
      %get3A_21 = arith.constant 0 : index
      %get3A_22 = vector.load %arg5[%get3A_20, %get3A_21] : memref<504x128xf32, #tpu.memory_space<vmem>>, vector<504x128xf32>
      %get3A_23 = arith.constant 0 : index
      %get3A_24 = arith.constant 0 : index
      %get3A_25 = vector.load %arg6[%get3A_23, %get3A_24] : memref<128x128xf32, #tpu.memory_space<vmem>>, vector<128x128xf32>
      %dot_general3A_26 = arith.constant dense<0.000000e+00> : vector<504x128xf32>
      %dot_general3A_27 = tpu.matmul %get3A_22, %get3A_25, %dot_general3A_26 {dimension_numbers = #tpu.dot_dimension_numbers<[1], [0], [0], [1], [0, 0, 1, 1], [], []>, transpose_lhs_hint = false} : vector<504x128xf32>, vector<128x128xf32>, vector<504x128xf32> -> vector<504x128xf32>
      %get3A_28 = arith.constant 0 : index
      %get3A_29 = arith.constant 0 : index
      %get3A_30 = vector.load %arg7[%get3A_28, %get3A_29] : memref<1x128xf32, #tpu.memory_space<vmem>>, vector<1x128xf32>
      %add3A = vector.broadcast %get3A_30 : vector<1x128xf32> to vector<504x128xf32>
      %add3A_31 = arith.addf %dot_general3A_27, %add3A : vector<504x128xf32>
      %swap3A_32 = arith.constant 0 : index
      %swap3A_33 = arith.constant 0 : index
      %swap3A_34 = vector.load %arg10[%swap3A_32, %swap3A_33] : memref<504x128xf32, #tpu.memory_space<vmem>>, vector<504x128xf32>
      tpu.vector_store %arg10[%swap3A_32, %swap3A_33], %add3A_31 {strides = array<i32>} : memref<504x128xf32, #tpu.memory_space<vmem>>, vector<504x128xf32>,
    } else {
    }
    return
  }
  func.func @transform_0(%arg0: i32) -> (i32, i32) {
    %c0_i32 = arith.constant 0 : i32
    %c0_i32_0 = arith.constant 0 : i32
    return %arg0, %c0_i32 : i32, i32
  }
  func.func @transform_1(%arg0: i32) -> (i32, i32) {
    %c0_i32 = arith.constant 0 : i32
    %c0_i32_0 = arith.constant 0 : i32
    %c0_i32_1 = arith.constant 0 : i32
    return %c0_i32, %c0_i32_0 : i32, i32
  }
  func.func @transform_2(%arg0: i32) -> (i32, i32) {
    %c0_i32 = arith.constant 0 : i32
    %c0_i32_0 = arith.constant 0 : i32
    return %arg0, %c0_i32 : i32, i32
  }
  func.func @transform_3(%arg0: i32) -> (i32, i32) {
    %c0_i32 = arith.constant 0 : i32
    %c0_i32_0 = arith.constant 0 : i32
    return %arg0, %c0_i32 : i32, i32
  }
  func.func @transform_4(%arg0: i32) -> (i32, i32) {
    %c0_i32 = arith.constant 0 : i32
    %c0_i32_0 = arith.constant 0 : i32
    %c0_i32_1 = arith.constant 0 : i32
    return %c0_i32, %c0_i32_0 : i32, i32
  }
  func.func @transform_5(%arg0: i32) -> (i32, i32) {
    %c0_i32 = arith.constant 0 : i32
    %c0_i32_0 = arith.constant 0 : i32
    %c0_i32_1 = arith.constant 0 : i32
    return %c0_i32, %c0_i32_0 : i32, i32
  }
  func.func @transform_6(%arg0: i32) -> (i32, i32) {
    %c0_i32 = arith.constant 0 : i32
    %c0_i32_0 = arith.constant 0 : i32
    %c0_i32_1 = arith.constant 0 : i32
    return %c0_i32, %c0_i32_0 : i32, i32
  }
  func.func @transform_7(%arg0: i32) -> (i32, i32) {
    %c0_i32 = arith.constant 0 : i32
    %c0_i32_0 = arith.constant 0 : i32
    return %arg0, %c0_i32 : i32, i32
  }
  func.func @transform_8(%arg0: i32) -> (i32, i32) {
    %c0_i32 = arith.constant 0 : i32
    %c0_i32_0 = arith.constant 0 : i32
    return %arg0, %c0_i32 : i32, i32
  }
  func.func @transform_9(%arg0: i32) -> (i32, i32) {
    %c0_i32 = arith.constant 0 : i32
    %c0_i32_0 = arith.constant 0 : i32
    %c0_i32_1 = arith.constant 0 : i32
    return %c0_i32, %c0_i32_0 : i32, i32
  }
}

module attributes {stable_mosaic.version = 14 : i64} {
  func.func @_att_body(%arg0: i32, %arg1: memref<10x1024x128xf32, #tpu.memory_space<vmem>>, %arg2: memref<1024x128xf32, #tpu.memory_space<vmem>>, %arg3: memref<1x128xf32, #tpu.memory_space<vmem>>, %arg4: memref<256x128xf32, #tpu.memory_space<vmem>>, %arg5: memref<1x128xf32, #tpu.memory_space<vmem>>, %arg6: memref<1024x128xf32, #tpu.memory_space<vmem>>) attributes {dimension_semantics = [#tpu.dimension_semantics<arbitrary>], iteration_bounds = array<i64: 16>, scalar_prefetch = 0 : i64, scratch_operands = 0 : i64, tpu.core_type = #tpu.core_type<tc>, window_params = [{transform_indices = @transform_0, window_bounds = array<i64: 10, 1024, 128>}, {transform_indices = @transform_1, window_bounds = array<i64: 1024, 128>}, {pipeline_mode = #tpu.pipeline_mode<synchronous>, transform_indices = @transform_2, window_bounds = array<i64: 1, 128>}, {pipeline_mode = #tpu.pipeline_mode<synchronous>, transform_indices = @transform_3, window_bounds = array<i64: 256, 128>}, {pipeline_mode = #tpu.pipeline_mode<synchronous>, transform_indices = @transform_4, window_bounds = array<i64: 1, 128>}, {transform_indices = @transform_5, window_bounds = array<i64: 1024, 128>}]} {
    %get3A = arith.constant 0 : index
    %get3A_0 = arith.constant 0 : index
    %get3A_1 = arith.constant 0 : index
    %get3A_2 = vector.load %arg1[%get3A, %get3A_0, %get3A_1] : memref<10x1024x128xf32, #tpu.memory_space<vmem>>, vector<10x1024x128xf32>
    %get3A_3 = arith.constant 0 : index
    %get3A_4 = arith.constant 0 : index
    %get3A_5 = vector.load %arg3[%get3A_3, %get3A_4] : memref<1x128xf32, #tpu.memory_space<vmem>>, vector<1x128xf32>
    %broadcast_in_dim3A = vector.shape_cast %get3A_5 : vector<1x128xf32> to vector<1x1x128xf32>
    %mul3A = vector.broadcast %broadcast_in_dim3A : vector<1x1x128xf32> to vector<10x1024x128xf32>
    %mul3A_6 = arith.mulf %get3A_2, %mul3A : vector<10x1024x128xf32>
    %reduce_sum3A = arith.constant dense<0.000000e+00> : vector<10x1024xf32>
    %reduce_sum3A_7 = vector.multi_reduction <add>, %mul3A_6, %reduce_sum3A [2] : vector<10x1024x128xf32> to vector<10x1024xf32>
    %reduce_max3A = arith.constant dense<0xFF800000> : vector<1024xf32>
    %reduce_max3A_8 = vector.multi_reduction <maximumf>, %reduce_sum3A_7, %reduce_max3A [0] : vector<10x1024xf32> to vector<1024xf32>
    %broadcast_in_dim3A_9 = vector.shape_cast %reduce_max3A_8 : vector<1024xf32> to vector<1x1024xf32>
    %sub3A = vector.broadcast %broadcast_in_dim3A_9 : vector<1x1024xf32> to vector<10x1024xf32>
    %sub3A_10 = arith.subf %reduce_sum3A_7, %sub3A : vector<10x1024xf32>
    %exp3A = math.exp %sub3A_10 : vector<10x1024xf32>
    %reduce_sum3A_11 = arith.constant dense<0.000000e+00> : vector<1024xf32>
    %reduce_sum3A_12 = vector.multi_reduction <add>, %exp3A, %reduce_sum3A_11 [0] : vector<10x1024xf32> to vector<1024xf32>
    %broadcast_in_dim3A_13 = vector.shape_cast %reduce_sum3A_12 : vector<1024xf32> to vector<1x1024xf32>
    %div3A = vector.broadcast %broadcast_in_dim3A_13 : vector<1x1024xf32> to vector<10x1024xf32>
    %div3A_14 = arith.divf %exp3A, %div3A : vector<10x1024xf32>
    %broadcast_in_dim3A_15 = vector.shape_cast %div3A_14 : vector<10x1024xf32> to vector<10x1024x1xf32>
    %mul3A_16 = vector.broadcast %broadcast_in_dim3A_15 : vector<10x1024x1xf32> to vector<10x1024x128xf32>
    %mul3A_17 = arith.mulf %get3A_2, %mul3A_16 : vector<10x1024x128xf32>
    %reduce_sum3A_18 = arith.constant dense<0.000000e+00> : vector<1024x128xf32>
    %reduce_sum3A_19 = vector.multi_reduction <add>, %mul3A_17, %reduce_sum3A_18 [0] : vector<10x1024x128xf32> to vector<1024x128xf32>
    %get3A_20 = arith.constant 0 : index
    %get3A_21 = arith.constant 0 : index
    %get3A_22 = vector.load %arg2[%get3A_20, %get3A_21] : memref<1024x128xf32, #tpu.memory_space<vmem>>, vector<1024x128xf32>
    %concatenate3A = tpu.concatenate %get3A_22, %reduce_sum3A_19 in 1 : vector<1024x128xf32>, vector<1024x128xf32> -> vector<1024x256xf32>
    %get3A_23 = arith.constant 0 : index
    %get3A_24 = arith.constant 0 : index
    %get3A_25 = vector.load %arg4[%get3A_23, %get3A_24] : memref<256x128xf32, #tpu.memory_space<vmem>>, vector<256x128xf32>
    %dot_general3A = arith.constant dense<0.000000e+00> : vector<1024x128xf32>
    %dot_general3A_26 = tpu.matmul %concatenate3A, %get3A_25, %dot_general3A {dimension_numbers = #tpu.dot_dimension_numbers<[1], [0], [0], [1], [0, 0, 1, 1], [], []>, transpose_lhs_hint = false} : vector<1024x256xf32>, vector<256x128xf32>, vector<1024x128xf32> -> vector<1024x128xf32>
    %get3A_27 = arith.constant 0 : index
    %get3A_28 = arith.constant 0 : index
    %get3A_29 = vector.load %arg5[%get3A_27, %get3A_28] : memref<1x128xf32, #tpu.memory_space<vmem>>, vector<1x128xf32>
    %add3A = vector.broadcast %get3A_29 : vector<1x128xf32> to vector<1024x128xf32>
    %add3A_30 = arith.addf %dot_general3A_26, %add3A : vector<1024x128xf32>
    %max3A = arith.constant 0.000000e+00 : f32
    %max3A_31 = vector.broadcast %max3A : f32 to vector<1024x128xf32>
    %max3A_32 = arith.maximumf %add3A_30, %max3A_31 : vector<1024x128xf32>
    %swap3A = arith.constant 0 : index
    %swap3A_33 = arith.constant 0 : index
    %swap3A_34 = vector.load %arg6[%swap3A, %swap3A_33] : memref<1024x128xf32, #tpu.memory_space<vmem>>, vector<1024x128xf32>
    tpu.vector_store %arg6[%swap3A, %swap3A_33], %max3A_32 {strides = array<i32>} : memref<1024x128xf32, #tpu.memory_space<vmem>>, vector<1024x128xf32>,
    return
  }
  func.func @transform_0(%arg0: i32) -> (i32, i32, i32) {
    %c0_i32 = arith.constant 0 : i32
    %c0_i32_0 = arith.constant 0 : i32
    %c0_i32_1 = arith.constant 0 : i32
    return %c0_i32, %arg0, %c0_i32_0 : i32, i32, i32
  }
  func.func @transform_1(%arg0: i32) -> (i32, i32) {
    %c0_i32 = arith.constant 0 : i32
    %c0_i32_0 = arith.constant 0 : i32
    return %arg0, %c0_i32 : i32, i32
  }
  func.func @transform_2(%arg0: i32) -> (i32, i32) {
    %c0_i32 = arith.constant 0 : i32
    %c0_i32_0 = arith.constant 0 : i32
    %c0_i32_1 = arith.constant 0 : i32
    return %c0_i32, %c0_i32_0 : i32, i32
  }
  func.func @transform_3(%arg0: i32) -> (i32, i32) {
    %c0_i32 = arith.constant 0 : i32
    %c0_i32_0 = arith.constant 0 : i32
    %c0_i32_1 = arith.constant 0 : i32
    return %c0_i32, %c0_i32_0 : i32, i32
  }
  func.func @transform_4(%arg0: i32) -> (i32, i32) {
    %c0_i32 = arith.constant 0 : i32
    %c0_i32_0 = arith.constant 0 : i32
    %c0_i32_1 = arith.constant 0 : i32
    return %c0_i32, %c0_i32_0 : i32, i32
  }
  func.func @transform_5(%arg0: i32) -> (i32, i32) {
    %c0_i32 = arith.constant 0 : i32
    %c0_i32_0 = arith.constant 0 : i32
    return %arg0, %c0_i32 : i32, i32
  }
}

</mosaic_0001>

<sc_bundles>
// kernel: kernel.5.cloned.1.call-start
scs
__scs_entry_jumppad:
0x0: {  	(pc) =	sbr.rel $0x88, $3  }
0x1: {  	(tag) =	ssettag $0x0;
	lr =	simm.s32 $0x1  }
0x2: {  	[smem:$0x3F97] =	sst lr;
	_ =	strace $0xD0000000  }
0x3: {  	_ = 	snop  }
0x4: {  	_ = 	snop  }
0x5: {  	_ = 	snop  }
0x6: {  	_ = 	snop  }
0x7: {  	_ = 	snop  }
__scs_overlays_trampoline_lowered:
0x8: {  	[smem:$0x3FA6] =	sst s0  }
0x9: {  	[smem:$0x3FA7] =	sst s1  }
0xa: {  	[smem:$0x3FA8] =	sst s2  }
0xb: {  	[smem:$0x3FA9] =	sst s3  }
0xc: {  	[smem:$0x3FAA] =	sst s4  }
0xd: {  	[smem:$0x3FAB] =	sst s5  }
0xe: {  	[smem:$0x3FAC] =	sst s6  }
0xf: {  	[smem:$0x3FAD] =	sst s7  }
0x10: {  	[smem:$0x3FAE] =	sst s8  }
0x11: {  	[smem:$0x3FAF] =	sst s9;
	s0 =	simm.s32 @!p0 $0x0  }
0x12: {  	s1 =	sld [smem:$0x3F95];
	s0 =	simm.s32 @p0 $0x1  }
0x13: {  	[smem:$0x3FB0] =	sst s0;
	s0 =	simm.s32 @!p1 $0x0  }
0x14: {  	s2 =	sld [smem:$0x3F94];
	s0 =	simm.s32 @p1 $0x1  }
0x15: {  	[smem:$0x3FB1] =	sst s0;
	s0 =	simm.s32 @!p2 $0x0  }
0x16: {  	s3 =	sld [smem:$0x3FDB];
	s0 =	simm.s32 @p2 $0x1  }
0x17: {  	s4 =	simm.s32 $0x1BF5;
	[smem:$0x3FB3] =	sst s0  }
0x18: {  	s0 =	sld [smem:$0x3F96];
	_ =	swait.ge [sflag:s4], $0x0  }
0x19: {  	s7 =	sld [smem:$0x3F97]  }
0x1a: {  	s8 =	sadd.s32 $0xFFFFE003, lr  }
0x1b: {  	s9 =	sadd.s32 $0xFFFFFEF7, lr;
	s5 =	simm.s32 $0xFFFFFFFF;
	p2 =	slt.u32 s8, $0xFFFFF086  }
0x1c: {  	p1 =	slt.u32 s9, $0xF7A;
	s5 =	simm.s32 @!p2 $0x0  }
0x1d: {  	s5 =	simm.s32 @p1 $0x1;
	p0 =	seq.s32 s7, s2  }
0x1e: {  	s7 =	smul.u32 @!p0 $0xF7A, s2;
	p2 =	seq.s32 @!p0 s5, $0x0  }
0x1f: {  	s9 =	smul.u32 $0xF7A, s1;
	s8 =	simm.s32 @!p0 $0x1BF5;
	p2 =	por !p2, p0  }
0x20: {  	[sflag:s8] =	ssyncset.s32 @!p0 $0xFFFFF086;
	s6 =	sadd.s32 @!p0 s3, s7;
	s7 =	simm.s32 @!p0 $0x108  }
0x21: {  	s3 =	sadd.s32 s3, s9;
	s6 =	sadd.s32 @!p0 $0x88, s6;
	s7 =	simm.s32 @p2 $0x1082  }
0x22: {  	[simem:s7], [sflag:s8] =	dma.local @!p0 [hbm:s6], $0xF7A  }
0x23: {  	s9 =	sor.u32 $0xD0000000, s2;
	s6 =	simm.s32 $0x108;
	_ =	swait.ge @!p0 [sflag:s8], $0x0  }
0x24: {  	s3 =	sadd.s32 $0x88, s3;
	s6 =	simm.s32 @!p1 $0x1082;
	[sflag:s4] =	ssyncset.s32 $0xFFFFF086  }
0x25: {  	[simem:s6], [sflag:s4] =	dma.local [hbm:s3], $0xF7A  }
0x26: {  	[smem:$0x3F97] =	sst s1;
	(tag) =	ssettag s2;
	_ =	strace s9  }
0x27: {  	s1 =	sld [smem:$0x3FA7]  }
0x28: {  	s2 =	sld [smem:$0x3FA8]  }
0x29: {  	s4 =	sld [smem:$0x3FAA]  }
0x2a: {  	p0 =	seq.s32 s5, $0x0;
	s5 =	sld [smem:$0x3FAB]  }
0x2b: {  	s6 =	sld [smem:$0x3FAC]  }
0x2c: {  	s7 =	sld [smem:$0x3FAD]  }
0x2d: {  	s3 =	simm.s32 $0x108;
	s8 =	sld [smem:$0x3FAE]  }
0x2e: {  	s3 =	simm.s32 @!p0 $0x1082;
	s9 =	sld [smem:$0x3FAF]  }
0x2f: {  	lr =	sadd.s32 s0, s3;
	s0 =	sld [smem:$0x3FA6]  }
0x30: {  	s3 =	sld [smem:$0x3FA9]  }
0x31: {  	[smem:$0x3FB2] =	sst s10  }
0x32: {  	s10 =	sld [smem:$0x3FB0];
	_ =	sdelay $0x3  }
0x33: {  	p0 =	seq.s32 s10, $0x1;
	s10 =	sld [smem:$0x3FB2];
	_ =	sdelay $0x3  }
0x34: {  	[smem:$0x3FB2] =	sst s10  }
0x35: {  	s10 =	sld [smem:$0x3FB1];
	_ =	sdelay $0x3  }
0x36: {  	p1 =	seq.s32 s10, $0x1;
	s10 =	sld [smem:$0x3FB2];
	_ =	sdelay $0x3  }
0x37: {  	[smem:$0x3FB2] =	sst s10  }
0x38: {  	s10 =	sld [smem:$0x3FB3]  }
0x39: {  	_ = 	snop;
	(pc) =	sbr.ind lr, $3  }
0x3a: {  	_ = 	snop  }
0x3b: {  	_ = 	snop  }
0x3c: {  	p2 =	seq.s32 s10, $0x1;
	s10 =	sld [smem:$0x3FB2]  }
0x3d: {  	_ =	shalt  }
0x3e: {  	_ =	shalt  }
0x3f: {  	_ =	shalt  }
0x40: {  	_ =	shalt  }
0x41: {  	_ =	shalt  }
0x42: {  	_ =	shalt  }
0x43: {  	_ =	shalt  }
0x44: {  	_ =	shalt  }
0x45: {  	_ =	shalt  }
0x46: {  	_ =	shalt  }
0x47: {  	_ =	shalt  }
0x48: {  	_ =	shalt  }
0x49: {  	_ =	shalt  }
0x4a: {  	_ =	shalt  }
0x4b: {  	_ =	shalt  }
0x4c: {  	_ =	shalt  }
0x4d: {  	_ =	shalt  }
0x4e: {  	_ =	shalt  }
0x4f: {  	_ =	shalt  }
0x50: {  	_ =	shalt  }
0x51: {  	_ =	shalt  }
0x52: {  	_ =	shalt  }
0x53: {  	_ =	shalt  }
0x54: {  	_ =	shalt  }
0x55: {  	_ =	shalt  }
0x56: {  	_ =	shalt  }
0x57: {  	_ =	shalt  }
0x58: {  	_ =	shalt  }
0x59: {  	_ =	shalt  }
0x5a: {  	_ =	shalt  }
0x5b: {  	_ =	shalt  }
0x5c: {  	_ =	shalt  }
0x5d: {  	_ =	shalt  }
0x5e: {  	_ =	shalt  }
0x5f: {  	_ =	shalt  }
0x60: {  	_ =	shalt  }
0x61: {  	_ =	shalt  }
0x62: {  	_ =	shalt  }
0x63: {  	_ =	shalt  }
0x64: {  	_ =	shalt  }
0x65: {  	_ =	shalt  }
0x66: {  	_ =	shalt  }
0x67: {  	_ =	shalt  }
0x68: {  	_ =	shalt  }
0x69: {  	_ =	shalt  }
0x6a: {  	_ =	shalt  }
0x6b: {  	_ =	shalt  }
0x6c: {  	_ =	shalt  }
0x6d: {  	_ =	shalt  }
0x6e: {  	_ =	shalt  }
0x6f: {  	_ =	shalt  }
0x70: {  	_ =	shalt  }
0x71: {  	_ =	shalt  }
0x72: {  	_ =	shalt  }
0x73: {  	_ =	shalt  }
0x74: {  	_ =	shalt  }
0x75: {  	_ =	shalt  }
0x76: {  	_ =	shalt  }
0x77: {  	_ =	shalt  }
0x78: {  	_ =	shalt  }
0x79: {  	_ =	shalt  }
0x7a: {  	_ =	shalt  }
0x7b: {  	_ =	shalt  }
0x7c: {  	_ =	shalt  }
0x7d: {  	_ =	shalt  }
0x7e: {  	_ =	shalt  }
0x7f: {  	_ =	shalt  }
0x80: {  	_ =	shalt  }
0x81: {  	_ =	shalt  }
0x82: {  	_ =	shalt  }
0x83: {  	_ =	shalt  }
0x84: {  	_ =	shalt  }
0x85: {  	_ =	shalt  }
0x86: {  	_ =	shalt  }
0x87: {  	_ =	shalt  }
.Lfunc_end0:
.L_simem_size_0:
called_computation_lowered:
.L_overlay_start_0:
0x88: {  	s2 =	sld [smem:$0x3FD9]  }
0x89: {  	s3 =	sld [smem:$0x3FFE];
	_ =	sdelay $0x1  }
0x8a: {  	s1 =	srdreg.scid  }
0x8b: {  	s0 =	sand.u32 $0x1, s1  }
0x8c: {  	s17 =	sshll.u32 s0, $0xA;
	s2 =	sadd.s32 s3, s2  }
0x8d: {  	s2 =	sadd.s32 s2, s17  }
0x8e: {  	[smem:$0x3FBE] =	sst s2  }
0x8f: {  	_ = 	snop  }
0x90: {  	s2 =	sld [smem:$0x3FC9]  }
0x91: {  	s18 =	sld [smem:$0x3FC6]  }
0x92: {  	s4 =	sld [smem:$0x3FD0];
	(tm) =	ssettm $0x1  }
0x93: {  	s5 =	sld [smem:$0x3FFB];
	_ =	sdelay $0x3  }
0x94: {  	_ =	strace s5  }
0x95: {  	s5 =	sld [smem:$0x3FFC];
	_ =	sdelay $0x3  }
0x96: {  	_ =	strace s5  }
0x97: {  	s5 =	sld [smem:$0x3FFD];
	_ =	sdelay $0x3  }
0x98: {  	_ =	strace s5  }
0x99: {  	_ =	strace $0x8FFFFFFF  }
0x9a: {  	s19 =	sld [smem:$0x3FDB];
	_ =	sdelay $0x1  }
0x9b: {  	s6 =	simm.s32 $_scs_section_size  }
0x9c: {  	s7 =	simm.s32 $_size__tile_overlayer_lowered;
	s8 =	simm.s32 $_tile_overlayer_lowered  }
0x9d: {  	s22 =	simm.s32 $0x1BFF;
	s21 =	sshll.u32 s8, $0x1;
	s5 =	sadd.s32 s6, s19  }
0x9e: {  	s9 =	simm.s32 $0x0;
	s20 =	sshll.u32 s7, $0x1;
	s7 =	sadd.s32 s21, s5  }
0x9f: {  	[timem:s9], [sflag:s22] =	dma.local [hbm:s7], s20  }
0xa0: {  	_ =	swait.ge [sflag:s22], s20  }
0xa1: {  	s6 =	ssub.s32 $0x0, s20;
	[sflag:s22] =	ssyncset.done $0x0  }
0xa2: {  	[sflag:s22] =	ssyncadd.s32 s6;
	_ =	sdelay $0x1  }
0xa3: {  	s23 =	simm.s32 $0x1B8B  }
0xa4: {  	_ =	swait.ge [sflag:s23], $0x1  }
0xa5: {  	[sflag:s23] =	ssyncset.done $0x0  }
0xa6: {  	s25 =	simm.s32 $0x1B8E;
	s24 =	sld [smem:$0x3FFE];
	[sflag:s23] =	ssyncadd.s32 $0xFFFFFFFF  }
0xa7: {  	s26 =	simm.s32 $execute0_lowered;
	[smem:$0x3FD2] =	sst s25  }
0xa8: {  	s7 =	sshll.u32 s26, $0x1;
	_ =	strace $0x80000046;
	[dreg:$0x1] =	wrdreg $0xFFFFFFFF  }
0xa9: {  	s28 =	simm.s32 $_size_execute0_lowered;
	s5 =	sadd.s32 s5, s7;
	[dreg:$0x0] =	wrdreg $0x0  }
0xaa: {  	s7 =	sshll.u32 s28, $0x1;
	[dreg:$0x2] =	wrdreg s5  }
0xab: {  	[dreg:$0x3] =	wrdreg s7  }
0xac: {  	[dreg:$0x4] =	wrdreg $0xC0  }
0xad: {  	_ =	task [dreg:s9], $0x5FFFF  }
0xae: {  	[dreg:$0x1] =	wrdreg $0xFFFFFFFF  }
0xaf: {  	[dreg:$0x0] =	wrdreg $0x60  }
0xb0: {  	[dreg:$0x2] =	wrdreg s2  }
0xb1: {  	[dreg:$0x3] =	wrdreg s24  }
0xb2: {  	[dreg:$0x4] =	wrdreg s18  }
0xb3: {  	[dreg:$0x5] =	wrdreg s4  }
0xb4: {  	[dreg:$0x6] =	wrdreg $0x9  }
0xb5: {  	_ =	task.clear_ibuf [dreg:s9], $0x7FFFF;
	_ =	strace $0x90000046  }
0xb6: {  	s29 =	simm.s32 $0x9;
	_ =	strace $0x80000048  }
0xb7: {  	_ =	swait.ge [sflag:s29], $0x1  }
0xb8: {  	[sflag:s29] =	ssyncadd.s32 $0xFFFFFFFF  }
0xb9: {  	_ =	strace $0x90000048  }
0xba: {  	_ =	sfence  }
0xbb: {  	s30 =	sld [smem:$0x0];
	_ =	sdelay $0x2  }
0xbc: {  	s31 =	sshll.u32 s1, $0xD;
	s1 =	sshrl.u32 s1, $0x2  }
0xbd: {  	s3 =	sand.u32 $0x4000, s31;
	s1 =	sadd.s32 s1, s30  }
0xbe: {  	s0 =	sor.u32 s3, s0;
	s1 =	sshll.u32 s1, $0x11  }
0xbf: {  	s0 =	sor.u32 s1, s0  }
0xc0: {  	s0 =	sadd.s32 $0x8F2B, s0  }
0xc1: {  	[sflag:s0] =	ssyncadd.remote.s32 $0x1  }
0xc2: {  	_ =	sfence.sel $0xFFFF  }
0xc3: {  	[dreg:$0x0] =	wrdreg $0xFFFFFFFF;
	(pc) =	sbr.abs _section_cstart, $3  }
0xc4: {  	[dreg:$0x1] =	wrdreg $0xFFFFFFFF  }
0xc5: {  	_ =	task.clear_ibuf [dreg:s9], $0x2FFFF;
	_ =	strace $0x9FFFFFFF  }
0xc6: {  	(tm) =	ssettm $0x7FFFFFFF  }
0xc7: {  	_ =	shalt  }
tec
execute0_lowered:
.L_overlay_start_1:
0x0: {  	(tag) =	ssettag $0x1  }
0x1: {  	s0 =	rddreg [dreg:$0x0]  }
0x2: {  	s4 =	rddreg [dreg:$0x1]  }
0x3: {  	s1 =	rddreg [dreg:$0x2]  }
0x4: {  	s2 =	rddreg [dreg:$0x3]  }
0x5: {  	s3 =	simm.s32 $0x0;
	s6 =	srdreg.scid;
	s7 =	stileid.u32  }
0x6: {  	s12 =	simm.s32 $0x5;
	s13 =	simm.s32 $0x80;
	s14 =	simm.s32 $0x200  }
0x7: {  	s15 =	simm.s32 $0x4200;
	s16 =	simm.s32 $0x3;
	s17 =	simm.s32 $0x4  }
0x8: {  	s19 =	simm.s32 $0xAA00;
	s20 =	simm.s32 $0x9600;
	s21 =	simm.s32 $0x12A00  }
0x9: {  	s22 =	simm.s32 $0xEA00;
	s23 =	simm.s32 $0x16A00;
	s24 =	simm.s32 $0x1  }
0xa: {  	s25 =	simm.s32 $0x2;
	s26 =	simm.s32 $0x0;
	[smem:$0x7FF] =	sst s3  }
0xb: {  	s5 =	sadd.s32 $0x496000, s4;
	s6 =	sand.u32 $0x1, s6;
	s7 =	sshll.u32 s7, $0xA  }
0xc: {  	_ =	strace $0x80000047;
	s9 =	ssub.s32 $0x2, s6;
	s8 =	sshll.u32 s6, $0x9  }
0xd: {  	s6 =	sadd.s32 $0x30F600, s4;
	s10 =	sshrl.u32 s9, $0x1;
	s7 =	sor.u32 s8, s7  }
0xe: {  	v0 =	vlaneseq.u32;
	s8 =	sadd.s32 $0x2200, s4;
	s11 =	ssub.s32 s9, s10;
	s31 =	sshrl.u32 s7, $0x3  }
0xf: {  	v0 =	vmul.u32 $0x80, v0;
	s9 =	sadd.s32 $0x4200, s4;
	s10 =	sadd.s32 s0, s31;
	s11 =	smax.u32 s11, $0x1  }
.LBB2_1:
0x10: {  	[tilespmem:s3], [sflag:$0x5] =	stream.linear.gather [hbm4b:s10+s3], $0x200, $0x38;
	[tilespmem:$0x1AA00] =	vst v63  }
0x11: {  	_ =	swait.ge [sflag:s12], $0x200  }
0x12: {  	s4 =	simm.s32 $0xA000;
	[sflag:s12] =	ssyncset.done $0x0  }
0x13: {  	s0 =	simm.s32 $0x8C00;
	s30 =	simm.s32 $0x0;
	[sflag:s12] =	ssyncadd.s32 $0xFFFFFE00  }
.LBB2_2:
0x14: {  	s31 =	sshll.u32 s30, $0x7;
	s18 =	simm.s32 $0x0  }
0x15: {  	s28 =	sand.u32 $0x3FFFFF80, s31;
	v1 =	vmov s18  }
0x16: {  	[tilespmem:s14], [sflag:$0x3] =	stream.indirect.gather [hbm4b:s5+s13], $0x80, s28, s13, $0xb8;
	v1 =	vshll.u32 v1, $0x7;
	[tilespmem:$0x1AA00] =	vst v63  }
0x17: {  	v1 =	vor.u32 v0, v1  }
0x18: {  	[tilespmem:s15], [sflag:$0x4] =	stream.indirect.gather [hbm4b:s1+s13], $0x80, s28, s13, $0xb8;
	[tilespmem:$0x1AA00] =	vst v63  }
0x19: {  	_ =	swait.ge [sflag:s16], $0x4000  }
0x1a: {  	[sflag:s16] =	ssyncset.done $0x0  }
0x1b: {  	[sflag:s16] =	ssyncadd.s32 $0xFFFFC000  }
0x1c: {  	v2 =	vld.idx.msk [tilespmem:v1+s14+$0x0], $0xffff  }
0x1d: {  	v3 =	vor.u32 $0xA, v1;
	_ =	sdelay $0x3  }
0x1e: {  	[tilespmem:s4+$0xFFFFF600] =	vst v2  }
0x1f: {  	v2 =	vld.idx.msk [tilespmem:v3+s14+$0x0], $0xffff  }
0x20: {  	v3 =	vor.u32 $0x1, v1;
	_ =	sdelay $0x3  }
0x21: {  	[tilespmem:s0+$0xFFFFF600] =	vst v2  }
0x22: {  	v2 =	vld.idx.msk [tilespmem:v3+s14+$0x0], $0xffff  }
0x23: {  	v3 =	vor.u32 $0xB, v1;
	_ =	sdelay $0x3  }
0x24: {  	[tilespmem:s4+$0xFFFFF800] =	vst v2  }
0x25: {  	v2 =	vld.idx.msk [tilespmem:v3+s14+$0x0], $0xffff  }
0x26: {  	v3 =	vor.u32 $0x2, v1;
	_ =	sdelay $0x3  }
0x27: {  	[tilespmem:s0+$0xFFFFF800] =	vst v2  }
0x28: {  	v2 =	vld.idx.msk [tilespmem:v3+s14+$0x0], $0xffff  }
0x29: {  	v3 =	vor.u32 $0xC, v1;
	_ =	sdelay $0x3  }
0x2a: {  	[tilespmem:s4+$0xFFFFFA00] =	vst v2  }
0x2b: {  	v2 =	vld.idx.msk [tilespmem:v3+s14+$0x0], $0xffff  }
0x2c: {  	v3 =	vor.u32 $0x3, v1;
	_ =	sdelay $0x3  }
0x2d: {  	[tilespmem:s0+$0xFFFFFA00] =	vst v2  }
0x2e: {  	v2 =	vld.idx.msk [tilespmem:v3+s14+$0x0], $0xffff  }
0x2f: {  	v3 =	vor.u32 $0xD, v1;
	_ =	sdelay $0x3  }
0x30: {  	[tilespmem:s4+$0xFFFFFC00] =	vst v2  }
0x31: {  	v2 =	vld.idx.msk [tilespmem:v3+s14+$0x0], $0xffff  }
0x32: {  	v3 =	vor.u32 $0x4, v1;
	_ =	sdelay $0x3  }
0x33: {  	[tilespmem:s0+$0xFFFFFC00] =	vst v2  }
0x34: {  	v2 =	vld.idx.msk [tilespmem:v3+s14+$0x0], $0xffff  }
0x35: {  	v3 =	vor.u32 $0xE, v1;
	_ =	sdelay $0x3  }
0x36: {  	[tilespmem:s4+$0xFFFFFE00] =	vst v2  }
0x37: {  	v2 =	vld.idx.msk [tilespmem:v3+s14+$0x0], $0xffff  }
0x38: {  	v3 =	vor.u32 $0x5, v1;
	_ =	sdelay $0x3  }
0x39: {  	[tilespmem:s0+$0xFFFFFE00] =	vst v2  }
0x3a: {  	v2 =	vld.idx.msk [tilespmem:v3+s14+$0x0], $0xffff  }
0x3b: {  	v3 =	vor.u32 $0xF, v1;
	_ =	sdelay $0x3  }
0x3c: {  	[tilespmem:s4+$0x0] =	vst v2  }
0x3d: {  	v2 =	vld.idx.msk [tilespmem:v3+s14+$0x0], $0xffff  }
0x3e: {  	v3 =	vor.u32 $0x6, v1;
	_ =	sdelay $0x3  }
0x3f: {  	[tilespmem:s0+$0x0] =	vst v2  }
0x40: {  	v2 =	vld.idx.msk [tilespmem:v3+s14+$0x0], $0xffff  }
0x41: {  	v3 =	vor.u32 $0x10, v1;
	_ =	sdelay $0x3  }
0x42: {  	[tilespmem:s4+$0x200] =	vst v2  }
0x43: {  	v2 =	vld.idx.msk [tilespmem:v3+s14+$0x0], $0xffff  }
0x44: {  	v3 =	vor.u32 $0x7, v1;
	_ =	sdelay $0x3  }
0x45: {  	[tilespmem:s0+$0x200] =	vst v2  }
0x46: {  	v2 =	vld.idx.msk [tilespmem:v3+s14+$0x0], $0xffff  }
0x47: {  	v3 =	vor.u32 $0x11, v1;
	_ =	sdelay $0x3  }
0x48: {  	[tilespmem:s4+$0x400] =	vst v2  }
0x49: {  	v2 =	vld.idx.msk [tilespmem:v3+s14+$0x0], $0xffff  }
0x4a: {  	v3 =	vor.u32 $0x8, v1;
	_ =	sdelay $0x3  }
0x4b: {  	[tilespmem:s0+$0x400] =	vst v2  }
0x4c: {  	v2 =	vld.idx.msk [tilespmem:v3+s14+$0x0], $0xffff  }
0x4d: {  	v3 =	vor.u32 $0x12, v1;
	_ =	sdelay $0x3  }
0x4e: {  	[tilespmem:s4+$0x600] =	vst v2  }
0x4f: {  	v2 =	vld.idx.msk [tilespmem:v3+s14+$0x0], $0xffff  }
0x50: {  	v3 =	vor.u32 $0x9, v1;
	_ =	sdelay $0x3  }
0x51: {  	[tilespmem:s0+$0x600] =	vst v2  }
0x52: {  	v2 =	vld.idx.msk [tilespmem:v3+s14+$0x0], $0xffff  }
0x53: {  	v3 =	vor.u32 $0x13, v1;
	_ =	sdelay $0x3  }
0x54: {  	s18 =	simm.s32 $0x10;
	[tilespmem:s4+$0x800] =	vst v2  }
0x55: {  	s29 =	smov.u32 s0;
	s28 =	smov.u32 s4;
	v1 =	vmov s18;
	s18 =	simm.s32 $0x20;
	v2 =	vld.idx.msk [tilespmem:v3+s14+$0x0], $0xffff  }
.LBB2_3:
0x56: {  	p0 =	sne.s32 s18, $0x70;
	v1 =	vshll.u32 v1, $0x7  }
0x57: {  	v1 =	vor.u32 v0, v1;
	_ =	sdelay $0x3  }
0x58: {  	[tilespmem:s29+$0x800] =	vst v2  }
0x59: {  	v2 =	vld.idx.msk [tilespmem:v1+s14+$0x0], $0xffff;
	_ =	sdelay $0x1  }
0x5a: {  	v3 =	vor.u32 $0xA, v1;
	_ =	sdelay $0x2  }
0x5b: {  	s28 =	sadd.s32 $0x10, s28  }
0x5c: {  	[tilespmem:s28+$0xFFFFF600] =	vst v2  }
0x5d: {  	v2 =	vld.idx.msk [tilespmem:v3+s14+$0x0], $0xffff;
	_ =	sdelay $0x1  }
0x5e: {  	v3 =	vor.u32 $0x1, v1;
	_ =	sdelay $0x2  }
0x5f: {  	s29 =	sadd.s32 $0x10, s29  }
0x60: {  	[tilespmem:s29+$0xFFFFF600] =	vst v2  }
0x61: {  	v2 =	vld.idx.msk [tilespmem:v3+s14+$0x0], $0xffff;
	_ =	sdelay $0x1  }
0x62: {  	v3 =	vor.u32 $0xB, v1;
	_ =	sdelay $0x3  }
0x63: {  	[tilespmem:s28+$0xFFFFF800] =	vst v2  }
0x64: {  	v2 =	vld.idx.msk [tilespmem:v3+s14+$0x0], $0xffff;
	_ =	sdelay $0x1  }
0x65: {  	v3 =	vor.u32 $0x2, v1;
	_ =	sdelay $0x3  }
0x66: {  	[tilespmem:s29+$0xFFFFF800] =	vst v2  }
0x67: {  	v2 =	vld.idx.msk [tilespmem:v3+s14+$0x0], $0xffff;
	_ =	sdelay $0x1  }
0x68: {  	v3 =	vor.u32 $0xC, v1;
	_ =	sdelay $0x3  }
0x69: {  	[tilespmem:s28+$0xFFFFFA00] =	vst v2  }
0x6a: {  	v2 =	vld.idx.msk [tilespmem:v3+s14+$0x0], $0xffff;
	_ =	sdelay $0x1  }
0x6b: {  	v3 =	vor.u32 $0x3, v1;
	_ =	sdelay $0x3  }
0x6c: {  	[tilespmem:s29+$0xFFFFFA00] =	vst v2  }
0x6d: {  	v2 =	vld.idx.msk [tilespmem:v3+s14+$0x0], $0xffff;
	_ =	sdelay $0x1  }
0x6e: {  	v3 =	vor.u32 $0xD, v1;
	_ =	sdelay $0x3  }
0x6f: {  	[tilespmem:s28+$0xFFFFFC00] =	vst v2  }
0x70: {  	v2 =	vld.idx.msk [tilespmem:v3+s14+$0x0], $0xffff;
	_ =	sdelay $0x1  }
0x71: {  	v3 =	vor.u32 $0x4, v1;
	_ =	sdelay $0x3  }
0x72: {  	[tilespmem:s29+$0xFFFFFC00] =	vst v2  }
0x73: {  	v2 =	vld.idx.msk [tilespmem:v3+s14+$0x0], $0xffff;
	_ =	sdelay $0x1  }
0x74: {  	v3 =	vor.u32 $0xE, v1;
	_ =	sdelay $0x3  }
0x75: {  	[tilespmem:s28+$0xFFFFFE00] =	vst v2  }
0x76: {  	v2 =	vld.idx.msk [tilespmem:v3+s14+$0x0], $0xffff;
	_ =	sdelay $0x1  }
0x77: {  	v3 =	vor.u32 $0x5, v1;
	_ =	sdelay $0x3  }
0x78: {  	[tilespmem:s29+$0xFFFFFE00] =	vst v2  }
0x79: {  	v2 =	vld.idx.msk [tilespmem:v3+s14+$0x0], $0xffff;
	_ =	sdelay $0x1  }
0x7a: {  	v3 =	vor.u32 $0xF, v1;
	_ =	sdelay $0x3  }
0x7b: {  	[tilespmem:s28+$0x0] =	vst v2  }
0x7c: {  	v2 =	vld.idx.msk [tilespmem:v3+s14+$0x0], $0xffff;
	_ =	sdelay $0x1  }
0x7d: {  	v3 =	vor.u32 $0x6, v1;
	_ =	sdelay $0x3  }
0x7e: {  	[tilespmem:s29+$0x0] =	vst v2  }
0x7f: {  	v2 =	vld.idx.msk [tilespmem:v3+s14+$0x0], $0xffff;
	_ =	sdelay $0x1  }
0x80: {  	v3 =	vor.u32 $0x10, v1;
	_ =	sdelay $0x3  }
0x81: {  	[tilespmem:s28+$0x200] =	vst v2  }
0x82: {  	v2 =	vld.idx.msk [tilespmem:v3+s14+$0x0], $0xffff;
	_ =	sdelay $0x1  }
0x83: {  	v3 =	vor.u32 $0x7, v1;
	_ =	sdelay $0x3  }
0x84: {  	[tilespmem:s29+$0x200] =	vst v2  }
0x85: {  	v2 =	vld.idx.msk [tilespmem:v3+s14+$0x0], $0xffff;
	_ =	sdelay $0x1  }
0x86: {  	v3 =	vor.u32 $0x11, v1;
	_ =	sdelay $0x3  }
0x87: {  	[tilespmem:s28+$0x400] =	vst v2  }
0x88: {  	v2 =	vld.idx.msk [tilespmem:v3+s14+$0x0], $0xffff;
	_ =	sdelay $0x1  }
0x89: {  	v3 =	vor.u32 $0x8, v1;
	_ =	sdelay $0x3  }
0x8a: {  	[tilespmem:s29+$0x400] =	vst v2  }
0x8b: {  	v2 =	vld.idx.msk [tilespmem:v3+s14+$0x0], $0xffff;
	_ =	sdelay $0x1  }
0x8c: {  	v3 =	vor.u32 $0x12, v1;
	_ =	sdelay $0x3  }
0x8d: {  	[tilespmem:s28+$0x600] =	vst v2  }
0x8e: {  	v2 =	vld.idx.msk [tilespmem:v3+s14+$0x0], $0xffff;
	_ =	sdelay $0x1  }
0x8f: {  	v3 =	vor.u32 $0x9, v1;
	_ =	sdelay $0x3  }
0x90: {  	[tilespmem:s29+$0x600] =	vst v2  }
0x91: {  	v2 =	vld.idx.msk [tilespmem:v3+s14+$0x0], $0xffff;
	_ =	sdelay $0x1  }
0x92: {  	v3 =	vor.u32 $0x13, v1  }
.Ltmp0:
0x93: {  	(pc) =	sbr.rel @p0 .LBB2_3-.Ltmp0, $3  }
0x94: {  	_ =	sdelay $0x1  }
0x95: {  	[tilespmem:s28+$0x800] =	vst v2  }
0x96: {  	v1 =	vmov s18;
	s18 =	sadd.s32 $0x10, s18;
	v2 =	vld.idx.msk [tilespmem:v3+s14+$0x0], $0xffff  }
0x97: {  	v1 =	vshll.u32 v1, $0x7  }
0x98: {  	v1 =	vor.u32 v0, v1;
	_ =	sdelay $0x3  }
0x99: {  	[tilespmem:s29+$0x800] =	vst v2  }
0x9a: {  	v2 =	vld.idx.msk [tilespmem:v1+s14+$0x0], $0xffff  }
0x9b: {  	v3 =	vor.u32 $0xA, v1;
	_ =	sdelay $0x2  }
0x9c: {  	s18 =	sadd.s32 $0x10, s28  }
0x9d: {  	[tilespmem:s18+$0xFFFFF600] =	vst v2  }
0x9e: {  	v2 =	vld.idx.msk [tilespmem:v3+s14+$0x0], $0xffff  }
0x9f: {  	v3 =	vor.u32 $0x1, v1;
	_ =	sdelay $0x2  }
0xa0: {  	s29 =	sadd.s32 $0x10, s29  }
0xa1: {  	[tilespmem:s29+$0xFFFFF600] =	vst v2  }
0xa2: {  	v2 =	vld.idx.msk [tilespmem:v3+s14+$0x0], $0xffff  }
0xa3: {  	v3 =	vor.u32 $0xB, v1;
	_ =	sdelay $0x3  }
0xa4: {  	[tilespmem:s18+$0xFFFFF800] =	vst v2  }
0xa5: {  	v2 =	vld.idx.msk [tilespmem:v3+s14+$0x0], $0xffff  }
0xa6: {  	v3 =	vor.u32 $0x2, v1;
	_ =	sdelay $0x3  }
0xa7: {  	[tilespmem:s29+$0xFFFFF800] =	vst v2  }
0xa8: {  	v2 =	vld.idx.msk [tilespmem:v3+s14+$0x0], $0xffff  }
0xa9: {  	v3 =	vor.u32 $0xC, v1;
	_ =	sdelay $0x3  }
0xaa: {  	[tilespmem:s18+$0xFFFFFA00] =	vst v2  }
0xab: {  	v2 =	vld.idx.msk [tilespmem:v3+s14+$0x0], $0xffff  }
0xac: {  	v3 =	vor.u32 $0x3, v1;
	_ =	sdelay $0x3  }
0xad: {  	[tilespmem:s29+$0xFFFFFA00] =	vst v2  }
0xae: {  	v2 =	vld.idx.msk [tilespmem:v3+s14+$0x0], $0xffff  }
0xaf: {  	v3 =	vor.u32 $0xD, v1;
	_ =	sdelay $0x3  }
0xb0: {  	[tilespmem:s18+$0xFFFFFC00] =	vst v2  }
0xb1: {  	v2 =	vld.idx.msk [tilespmem:v3+s14+$0x0], $0xffff  }
0xb2: {  	v3 =	vor.u32 $0x4, v1;
	_ =	sdelay $0x3  }
0xb3: {  	[tilespmem:s29+$0xFFFFFC00] =	vst v2  }
0xb4: {  	v2 =	vld.idx.msk [tilespmem:v3+s14+$0x0], $0xffff  }
0xb5: {  	v3 =	vor.u32 $0xE, v1;
	_ =	sdelay $0x3  }
0xb6: {  	[tilespmem:s18+$0xFFFFFE00] =	vst v2  }
0xb7: {  	v2 =	vld.idx.msk [tilespmem:v3+s14+$0x0], $0xffff  }
0xb8: {  	v3 =	vor.u32 $0x5, v1;
	_ =	sdelay $0x3  }
0xb9: {  	[tilespmem:s29+$0xFFFFFE00] =	vst v2  }
0xba: {  	v2 =	vld.idx.msk [tilespmem:v3+s14+$0x0], $0xffff  }
0xbb: {  	v3 =	vor.u32 $0xF, v1;
	_ =	sdelay $0x3  }
0xbc: {  	[tilespmem:s18+$0x0] =	vst v2  }
0xbd: {  	v2 =	vld.idx.msk [tilespmem:v3+s14+$0x0], $0xffff  }
0xbe: {  	v3 =	vor.u32 $0x6, v1;
	_ =	sdelay $0x3  }
0xbf: {  	[tilespmem:s29+$0x0] =	vst v2  }
0xc0: {  	v2 =	vld.idx.msk [tilespmem:v3+s14+$0x0], $0xffff  }
0xc1: {  	v3 =	vor.u32 $0x10, v1;
	_ =	sdelay $0x3  }
0xc2: {  	[tilespmem:s18+$0x200] =	vst v2  }
0xc3: {  	v2 =	vld.idx.msk [tilespmem:v3+s14+$0x0], $0xffff  }
0xc4: {  	v3 =	vor.u32 $0x7, v1;
	_ =	sdelay $0x3  }
0xc5: {  	[tilespmem:s29+$0x200] =	vst v2  }
0xc6: {  	v2 =	vld.idx.msk [tilespmem:v3+s14+$0x0], $0xffff  }
0xc7: {  	v3 =	vor.u32 $0x11, v1;
	_ =	sdelay $0x3  }
0xc8: {  	[tilespmem:s18+$0x400] =	vst v2  }
0xc9: {  	v2 =	vld.idx.msk [tilespmem:v3+s14+$0x0], $0xffff  }
0xca: {  	v3 =	vor.u32 $0x8, v1;
	_ =	sdelay $0x3  }
0xcb: {  	[tilespmem:s29+$0x400] =	vst v2  }
0xcc: {  	v2 =	vld.idx.msk [tilespmem:v3+s14+$0x0], $0xffff  }
0xcd: {  	v3 =	vor.u32 $0x12, v1;
	_ =	sdelay $0x3  }
0xce: {  	[tilespmem:s18+$0x600] =	vst v2  }
0xcf: {  	v2 =	vld.idx.msk [tilespmem:v3+s14+$0x0], $0xffff  }
0xd0: {  	v3 =	vor.u32 $0x9, v1;
	_ =	sdelay $0x3  }
0xd1: {  	[tilespmem:s29+$0x600] =	vst v2  }
0xd2: {  	v2 =	vld.idx.msk [tilespmem:v3+s14+$0x0], $0xffff  }
0xd3: {  	v1 =	vor.u32 $0x13, v1;
	_ =	sdelay $0x3  }
0xd4: {  	[tilespmem:s18+$0x800] =	vst v2  }
0xd5: {  	v1 =	vld.idx.msk [tilespmem:v1+s14+$0x0], $0xffff;
	_ =	sdelay $0x4  }
0xd6: {  	[tilespmem:s29+$0x800] =	vst v1  }
0xd7: {  	s31 =	sadd.s32 s7, s31;
	s30 =	sadd.s32 $0x1, s30;
	_ =	swait.ge [sflag:s17], $0x4000  }
0xd8: {  	p0 =	sne.s32 s30, $0x4;
	s18 =	sshll.u32 s31, $0x4;
	[sflag:s17] =	ssyncset.done $0x0  }
.Ltmp1:
0xd9: {  	s18 =	sadd.s32 s2, s18;
	[sflag:s17] =	ssyncadd.s32 $0xFFFFC000;
	(pc) =	sbr.rel @p0 .LBB2_2-.Ltmp1, $4  }
0xda: {  	[hbm4b:s18+s3] =	stream.linear.scatter [tilespmem:s15], [sflag:$0x5], $0x4000, $0x38;
	[tilespmem:$0x1AA00] =	vst v63  }
0xdb: {  	_ =	swait.ge [sflag:s12], $0x4000  }
0xdc: {  	[sflag:s12] =	ssyncset.done $0x0  }
0xdd: {  	s4 =	sadd.s32 $0x80, s4;
	s0 =	sadd.s32 $0x80, s0;
	[sflag:s12] =	ssyncadd.s32 $0xFFFFC000  }
0xde: {  	s0 =	simm.s32 $0x8200  }
0xdf: {  	[tilespmem:s19], [sflag:$0x1] =	stream.indirect.gather [hbm4b:s6+s13], $0x80, s0, s13, $0xb8;
	[tilespmem:$0x1AA00] =	vst v63  }
0xe0: {  	s28 =	simm.s32 $0x0  }
0xe1: {  	[tilespmem:s21], [sflag:$0x1] =	stream.indirect.gather [hbm4b:s8+s13], $0x80, s20, s13, $0xb8;
	[tilespmem:$0x1AA00] =	vst v63  }
.LBB2_6:
0xe2: {  	s4 =	sshll.u32 s28, $0x8  }
0xe3: {  	s0 =	sadd.s32 $0x8280, s4  }
0xe4: {  	[tilespmem:s22], [sflag:$0x2] =	stream.indirect.gather [hbm4b:s6+s13], $0x80, s0, s13, $0xb8;
	[tilespmem:$0x1AA00] =	vst v63  }
0xe5: {  	s31 =	sadd.s32 $0x9680, s4  }
0xe6: {  	[tilespmem:s23], [sflag:$0x2] =	stream.indirect.gather [hbm4b:s8+s13], $0x80, s31, s13, $0xb8;
	[tilespmem:$0x1AA00] =	vst v63  }
0xe7: {  	_ =	swait.ge [sflag:s24], $0x4000  }
0xe8: {  	[sflag:s24] =	ssyncset.done $0x0  }
0xe9: {  	[sflag:s24] =	ssyncadd.s32 $0xFFFFC000  }
0xea: {  	_ =	swait.ge [sflag:s24], $0x4000  }
0xeb: {  	[sflag:s24] =	ssyncset.done $0x0  }
0xec: {  	s29 =	simm.s32 $0x0;
	[sflag:s24] =	ssyncadd.s32 $0xFFFFC000  }
0xed: {  	v7 =	vld [tilespmem:s29+$0x12A00]  }
0xee: {  	v12 =	vld [tilespmem:s29+$0x12A10]  }
0xef: {  	v6 =	vld [tilespmem:s29+$0x12A20]  }
0xf0: {  	v5 =	vld [tilespmem:s29+$0x12A30]  }
0xf1: {  	v4 =	vld [tilespmem:s29+$0x12A40]  }
0xf2: {  	v3 =	vld [tilespmem:s29+$0x12A50]  }
0xf3: {  	v2 =	vld [tilespmem:s29+$0x12A60]  }
0xf4: {  	v1 =	vld [tilespmem:s29+$0x12A70]  }
0xf5: {  	v13 =	vld [tilespmem:s29+$0xAA00]  }
0xf6: {  	v14 =	vld [tilespmem:s29+$0xAA10]  }
0xf7: {  	v11 =	vld [tilespmem:s29+$0xAA20]  }
0xf8: {  	v10 =	vld [tilespmem:s29+$0xAA30]  }
0xf9: {  	v9 =	vld [tilespmem:s29+$0xAA40]  }
0xfa: {  	v8 =	vld [tilespmem:s29+$0xAA50];
	v13 =	vadd.f32 v7, v13  }
0xfb: {  	s18 =	simm.s32 $0x200;
	s0 =	sor.u32 $0x80, s4;
	v12 =	vadd.f32 v12, v14;
	v7 =	vld [tilespmem:s29+$0xAA60]  }
.LBB2_7:
0xfc: {  	s30 =	sshra.s32 s18, $0x2;
	p0 =	sne.s32 s18, $0xFE00;
	v13 =	vmax.f32 v13, $0.0e+00;
	v6 =	vadd.f32 v6, v11;
	v11 =	vld [tilespmem:s29+$0xAA70]  }
0xfd: {  	v14 =	vld [tilespmem:s30+$0x12A00];
	[tilespmem:s29+$0xAA00] =	vst v13;
	v12 =	vmax.f32 v12, $0.0e+00;
	v5 =	vadd.f32 v5, v10  }
0xfe: {  	v15 =	vld [tilespmem:s30+$0x12A10];
	[tilespmem:s29+$0xAA10] =	vst v12;
	v10 =	vmax.f32 v6, $0.0e+00;
	v4 =	vadd.f32 v4, v9  }
0xff: {  	v6 =	vld [tilespmem:s30+$0x12A20];
	[tilespmem:s29+$0xAA20] =	vst v10;
	v9 =	vmax.f32 v5, $0.0e+00;
	v3 =	vadd.f32 v3, v8  }
0x100: {  	v5 =	vld [tilespmem:s30+$0x12A30];
	[tilespmem:s29+$0xAA30] =	vst v9;
	v8 =	vmax.f32 v4, $0.0e+00;
	v2 =	vadd.f32 v2, v7  }
0x101: {  	v4 =	vld [tilespmem:s30+$0x12A40];
	[tilespmem:s29+$0xAA40] =	vst v8;
	v7 =	vmax.f32 v3, $0.0e+00;
	v1 =	vadd.f32 v1, v11  }
0x102: {  	v3 =	vld [tilespmem:s30+$0x12A50];
	[tilespmem:s29+$0xAA50] =	vst v7;
	v7 =	vmax.f32 v2, $0.0e+00  }
0x103: {  	v2 =	vld [tilespmem:s30+$0x12A60];
	[tilespmem:s29+$0xAA60] =	vst v7;
	v7 =	vmax.f32 v1, $0.0e+00  }
0x104: {  	v1 =	vld [tilespmem:s30+$0x12A70];
	[tilespmem:s29+$0xAA70] =	vst v7;
	s29 =	smov.u32 s30  }
0x105: {  	v7 =	vld [tilespmem:s29+$0xAA00]  }
0x106: {  	v12 =	vld [tilespmem:s29+$0xAA10]  }
.Ltmp2:
0x107: {  	v11 =	vld [tilespmem:s29+$0xAA20];
	(pc) =	sbr.rel @p0 .LBB2_7-.Ltmp2, $4  }
0x108: {  	v10 =	vld [tilespmem:s29+$0xAA30]  }
0x109: {  	v9 =	vld [tilespmem:s29+$0xAA40]  }
0x10a: {  	v13 =	vadd.f32 v14, v7;
	v8 =	vld [tilespmem:s29+$0xAA50]  }
0x10b: {  	s18 =	sadd.s32 $0x200, s18;
	v12 =	vadd.f32 v15, v12;
	v7 =	vld [tilespmem:s29+$0xAA60]  }
0x10c: {  	v13 =	vmax.f32 v13, $0.0e+00;
	v6 =	vadd.f32 v6, v11;
	v11 =	vld [tilespmem:s29+$0xAA70]  }
0x10d: {  	[tilespmem:s29+$0xAA00] =	vst v13;
	v12 =	vmax.f32 v12, $0.0e+00;
	v5 =	vadd.f32 v5, v10  }
0x10e: {  	[tilespmem:s29+$0xAA10] =	vst v12;
	v6 =	vmax.f32 v6, $0.0e+00;
	v4 =	vadd.f32 v4, v9  }
0x10f: {  	s18 =	sshll.u32 s28, $0xD;
	[tilespmem:s29+$0xAA20] =	vst v6;
	v5 =	vmax.f32 v5, $0.0e+00;
	v3 =	vadd.f32 v3, v8  }
0x110: {  	s30 =	sand.u32 $0x100, s4;
	s18 =	sand.u32 $0x3C000, s18;
	[tilespmem:s29+$0xAA30] =	vst v5;
	v4 =	vmax.f32 v4, $0.0e+00;
	v2 =	vadd.f32 v2, v7  }
0x111: {  	s30 =	sor.u32 s30, s18;
	[tilespmem:s29+$0xAA40] =	vst v4;
	v3 =	vmax.f32 v3, $0.0e+00;
	v1 =	vadd.f32 v1, v11  }
0x112: {  	s30 =	sor.u32 s7, s30;
	[tilespmem:s29+$0xAA50] =	vst v3;
	v2 =	vmax.f32 v2, $0.0e+00  }
0x113: {  	s30 =	sshll.u32 s30, $0x4;
	[tilespmem:s29+$0xAA60] =	vst v2;
	v1 =	vmax.f32 v1, $0.0e+00  }
0x114: {  	[tilespmem:s29+$0xAA70] =	vst v1;
	s29 =	sadd.s32 s9, s30  }
0x115: {  	[hbm4b:s29+s3] =	stream.linear.scatter [tilespmem:s19], [sflag:$0x5], $0x4000, $0x38;
	[tilespmem:$0x1AA00] =	vst v63  }
0x116: {  	p0 =	seq.s32 s28, $0x13;
	_ =	swait.ge [sflag:s12], $0x4000  }
0x117: {  	s31 =	simm.s32 @!p0 $0xAA00;
	[sflag:s12] =	ssyncset.done $0x0  }
0x118: {  	s30 =	simm.s32 @!p0 $0x80;
	s29 =	sadd.s32 @!p0 $0x8300, s4;
	[sflag:s12] =	ssyncadd.s32 $0xFFFFC000  }
0x119: {  	[tilespmem:s31], [sflag:$0x1] =	stream.indirect.gather @!p0 [hbm4b:s6+s30], $0x80, s29, s30, $0xb8;
	[tilespmem:$0x1AA00] =	vst v63  }
0x11a: {  	s4 =	sadd.s32 @!p0 $0x9700, s4;
	s29 =	simm.s32 @!p0 $0x12A00  }
0x11b: {  	[tilespmem:s29], [sflag:$0x1] =	stream.indirect.gather @!p0 [hbm4b:s8+s30], $0x80, s4, s30, $0xb8;
	[tilespmem:$0x1AA00] =	vst v63  }
0x11c: {  	_ =	swait.ge [sflag:s25], $0x4000  }
0x11d: {  	[sflag:s25] =	ssyncset.done $0x0  }
0x11e: {  	[sflag:s25] =	ssyncadd.s32 $0xFFFFC000  }
0x11f: {  	_ =	swait.ge [sflag:s25], $0x4000  }
0x120: {  	[sflag:s25] =	ssyncset.done $0x0  }
0x121: {  	s4 =	simm.s32 $0x0;
	[sflag:s25] =	ssyncadd.s32 $0xFFFFC000  }
0x122: {  	v7 =	vld [tilespmem:s4+$0x16A00]  }
0x123: {  	v12 =	vld [tilespmem:s4+$0x16A10]  }
0x124: {  	v6 =	vld [tilespmem:s4+$0x16A20]  }
0x125: {  	v5 =	vld [tilespmem:s4+$0x16A30]  }
0x126: {  	v4 =	vld [tilespmem:s4+$0x16A40]  }
0x127: {  	v3 =	vld [tilespmem:s4+$0x16A50]  }
0x128: {  	v2 =	vld [tilespmem:s4+$0x16A60]  }
0x129: {  	v1 =	vld [tilespmem:s4+$0x16A70]  }
0x12a: {  	v13 =	vld [tilespmem:s4+$0xEA00]  }
0x12b: {  	v14 =	vld [tilespmem:s4+$0xEA10]  }
0x12c: {  	v11 =	vld [tilespmem:s4+$0xEA20]  }
0x12d: {  	v10 =	vld [tilespmem:s4+$0xEA30]  }
0x12e: {  	v9 =	vld [tilespmem:s4+$0xEA40]  }
0x12f: {  	v8 =	vld [tilespmem:s4+$0xEA50];
	v13 =	vadd.f32 v7, v13  }
0x130: {  	s29 =	simm.s32 $0x200;
	v12 =	vadd.f32 v12, v14;
	v7 =	vld [tilespmem:s4+$0xEA60]  }
.LBB2_9:
0x131: {  	s30 =	sshra.s32 s29, $0x2;
	p0 =	sne.s32 s29, $0xFE00;
	v13 =	vmax.f32 v13, $0.0e+00;
	v6 =	vadd.f32 v6, v11;
	v11 =	vld [tilespmem:s4+$0xEA70]  }
0x132: {  	v14 =	vld [tilespmem:s30+$0x16A00];
	[tilespmem:s4+$0xEA00] =	vst v13;
	v12 =	vmax.f32 v12, $0.0e+00;
	v5 =	vadd.f32 v5, v10  }
0x133: {  	v15 =	vld [tilespmem:s30+$0x16A10];
	[tilespmem:s4+$0xEA10] =	vst v12;
	v10 =	vmax.f32 v6, $0.0e+00;
	v4 =	vadd.f32 v4, v9  }
0x134: {  	v6 =	vld [tilespmem:s30+$0x16A20];
	[tilespmem:s4+$0xEA20] =	vst v10;
	v9 =	vmax.f32 v5, $0.0e+00;
	v3 =	vadd.f32 v3, v8  }
0x135: {  	v5 =	vld [tilespmem:s30+$0x16A30];
	[tilespmem:s4+$0xEA30] =	vst v9;
	v8 =	vmax.f32 v4, $0.0e+00;
	v2 =	vadd.f32 v2, v7  }
0x136: {  	v4 =	vld [tilespmem:s30+$0x16A40];
	[tilespmem:s4+$0xEA40] =	vst v8;
	v7 =	vmax.f32 v3, $0.0e+00;
	v1 =	vadd.f32 v1, v11  }
0x137: {  	v3 =	vld [tilespmem:s30+$0x16A50];
	[tilespmem:s4+$0xEA50] =	vst v7;
	v7 =	vmax.f32 v2, $0.0e+00  }
0x138: {  	v2 =	vld [tilespmem:s30+$0x16A60];
	[tilespmem:s4+$0xEA60] =	vst v7;
	v7 =	vmax.f32 v1, $0.0e+00  }
0x139: {  	v1 =	vld [tilespmem:s30+$0x16A70];
	[tilespmem:s4+$0xEA70] =	vst v7;
	s4 =	smov.u32 s30  }
0x13a: {  	v7 =	vld [tilespmem:s4+$0xEA00]  }
0x13b: {  	v12 =	vld [tilespmem:s4+$0xEA10]  }
.Ltmp3:
0x13c: {  	v11 =	vld [tilespmem:s4+$0xEA20];
	(pc) =	sbr.rel @p0 .LBB2_9-.Ltmp3, $4  }
0x13d: {  	v10 =	vld [tilespmem:s4+$0xEA30]  }
0x13e: {  	v9 =	vld [tilespmem:s4+$0xEA40]  }
0x13f: {  	v13 =	vadd.f32 v14, v7;
	v8 =	vld [tilespmem:s4+$0xEA50]  }
0x140: {  	s29 =	sadd.s32 $0x200, s29;
	v12 =	vadd.f32 v15, v12;
	v7 =	vld [tilespmem:s4+$0xEA60]  }
0x141: {  	v13 =	vmax.f32 v13, $0.0e+00;
	v6 =	vadd.f32 v6, v11;
	v63 =	vld [tilespmem:s4+$0xEA70]  }
0x142: {  	[tilespmem:s4+$0xEA00] =	vst v13;
	v12 =	vmax.f32 v12, $0.0e+00;
	v5 =	vadd.f32 v5, v10  }
0x143: {  	[tilespmem:s4+$0xEA10] =	vst v12;
	v6 =	vmax.f32 v6, $0.0e+00;
	v4 =	vadd.f32 v4, v9  }
0x144: {  	[tilespmem:s4+$0xEA20] =	vst v6;
	v5 =	vmax.f32 v5, $0.0e+00;
	v3 =	vadd.f32 v3, v8  }
0x145: {  	s0 =	sand.u32 $0x180, s0;
	[tilespmem:s4+$0xEA30] =	vst v5;
	v4 =	vmax.f32 v4, $0.0e+00;
	v2 =	vadd.f32 v2, v7  }
0x146: {  	s0 =	sor.u32 s0, s18;
	[tilespmem:s4+$0xEA40] =	vst v4;
	v3 =	vmax.f32 v3, $0.0e+00;
	v1 =	vadd.f32 v1, v63  }
0x147: {  	s28 =	sadd.s32 $0x1, s28;
	s0 =	sor.u32 s7, s0;
	[tilespmem:s4+$0xEA50] =	vst v3;
	v2 =	vmax.f32 v2, $0.0e+00  }
0x148: {  	p0 =	sne.s32 s28, $0x14;
	s0 =	sshll.u32 s0, $0x4;
	[tilespmem:s4+$0xEA60] =	vst v2;
	v1 =	vmax.f32 v1, $0.0e+00  }
.Ltmp4:
0x149: {  	s0 =	sadd.s32 s9, s0;
	[tilespmem:s4+$0xEA70] =	vst v1;
	(pc) =	sbr.rel @p0 .LBB2_6-.Ltmp4, $4  }
0x14a: {  	[hbm4b:s0+s3] =	stream.linear.scatter [tilespmem:s22], [sflag:$0x5], $0x4000, $0x38;
	[tilespmem:$0x1AA00] =	vst v63  }
0x14b: {  	_ =	swait.ge [sflag:s12], $0x4000  }
0x14c: {  	[sflag:s12] =	ssyncset.done $0x0  }
0x14d: {  	[sflag:s12] =	ssyncadd.s32 $0xFFFFC000  }
0x14e: {  	s26 =	sadd.s32 $0x1, s26  }
0x14f: {  	p0 =	sne.s32 s26, s11  }
.Ltmp5:
0x150: {  	_ = 	snop;
	(pc) =	sbr.rel @p0 .LBB2_1-.Ltmp5, $1  }
0x151: {  	_ =	sdelay $0x3  }
0x152: {  	_ =	sfence.sel $0x180000  }
0x153: {  	[bflag:$0x0] =	sbarrier.arrive $0xFFFF  }
0x154: {  	_ =	strace $0x90000047  }
0x155: {  	s0 =	stileid.u32;
	[bflag:$0x2] =	sbarrier.arrive $0xFFFF  }
0x156: {  	p0 =	sne.s32 s0, $0x0;
	s0 =	rddreg [dreg:$0x4]  }
0x157: {  	s0 =	sadd.s32 @!p0 $0x100000, s0  }
0x158: {  	[sflag:s0] =	ssyncadd.tile.s32 @!p0 $0x1;
	_ =	shalt  }
.Lfunc_end2:
_tile_overlayer_lowered:
.L_overlay_start_2:
0x159: {  	(tag) =	ssettag $0x2  }
0x15a: {  	s0 =	rddreg [dreg:$0x0];
	s2 =	stileid.u32  }
0x15b: {  	s1 =	rddreg [dreg:$0x1];
	p0 =	sne.s32 s2, $0x0  }
0x15c: {  	s3 =	rddreg [dreg:$0x2];
	[bflag:$0x3] =	sbarrier.arrive $0xFFFF;
	s2 =	simm.s32 @!p0 $0x1C05  }
0x15d: {  	[timem:s3], [sflag:s2] =	dma.local @!p0 [hbm:s0], s1  }
0x15e: {  	s0 =	simm.s32 @!p0 $0x5  }
0x15f: {  	_ =	swait.ge @!p0 [sflag:s0], s1  }
0x160: {  	s1 =	ssub.s32 @!p0 $0x0, s1;
	[sflag:s0] =	ssyncset.done @!p0 $0x0  }
0x161: {  	[sflag:s0] =	ssyncadd.s32 @!p0 s1  }
0x162: {  	[bflag:$0x3] =	sbarrier.arrive $0xFFFF  }
0x163: {  	_ =	shalt  }

</sc_bundles>
